<compile_context>
chip_gen: v7x
topology: tpu7x:2x2x1
jax: 0.10.2.dev20260603
libtpu: 0.0.44.dev20260713+nightly
codegen_flags: <defaults>
</compile_context>

<pallas_src>
import functools

import jax
import jax.numpy as jnp
from jax import lax
from jax.experimental import pallas as pl
from jax.experimental.pallas import tpu as pltpu
from jax.experimental.pallas import tpu_sc as plsc

NUM_ITERATIONS = 2
ALPHA = 0.5
LAMBDA_GRAPH = 0.1
LN_EPS = 1e-5

NC = 2
NS = 16
NW = NC * NS


def _sc_degree(col3, ones_ch, zeros_nd):
    NCHUNK, CH = col3.shape[1], col3.shape[2]
    N, D = zeros_nd.shape
    RB = 1000
    NRB = N // RB

    @functools.partial(
        pl.kernel,
        out_type=jax.ShapeDtypeStruct((NC, N, D), jnp.float32),
        mesh=plsc.VectorSubcoreMesh(core_axis_name="c", subcore_axis_name="s"),
        scratch_types=[
            pltpu.VMEM((NCHUNK, CH), jnp.int32),
            pltpu.VMEM((CH, D), jnp.float32),
            pltpu.VMEM_SHARED((N, D), jnp.float32),
            pltpu.SemaphoreType.DMA,
        ],
    )
    def k(col_hbm, ones_hbm, z_hbm, out_hbm, idxc, onesv, acc, ssem):
        c = lax.axis_index("c")
        s = lax.axis_index("s")
        wid = c * NS + s
        pltpu.sync_copy(col_hbm.at[wid], idxc)
        pltpu.sync_copy(ones_hbm, onesv)

        @pl.when(s < NRB)
        def _():
            pltpu.sync_copy(z_hbm.at[pl.ds(s * RB, RB)],
                            acc.at[pl.ds(s * RB, RB)])

        plsc.subcore_barrier()

        GD = 25

        def group(g, carry):
            def fire(t, c2):
                pltpu.async_copy(onesv, acc.at[idxc.at[g * GD + t]], ssem,
                                 add=True)
                return c2

            lax.fori_loop(0, GD, fire, 0)

            def drain(t, c2):
                pltpu.make_async_copy(onesv, acc.at[idxc.at[g * GD + t]],
                                      ssem).wait()
                return c2

            lax.fori_loop(0, GD, drain, 0)
            return carry

        lax.fori_loop(0, NCHUNK // GD, group, 0)
        plsc.subcore_barrier()

        @pl.when(s < NRB)
        def _():
            pltpu.sync_copy(acc.at[pl.ds(s * RB, RB)],
                            out_hbm.at[c, pl.ds(s * RB, RB)])

    return k(col3, ones_ch, zeros_nd)


def _sc_scatter(row4, col4, y, zeros_nd):
    IP, IC, CH = row4.shape[1], row4.shape[2], row4.shape[3]
    N, D = y.shape
    RB = 1000
    NRB = N // RB

    @functools.partial(
        pl.kernel,
        out_type=jax.ShapeDtypeStruct((NC, N, D), jnp.float32),
        mesh=plsc.VectorSubcoreMesh(core_axis_name="c", subcore_axis_name="s"),
        scratch_types=[
            pltpu.VMEM((IC, CH), jnp.int32),
            pltpu.VMEM((IC, CH), jnp.int32),
            pltpu.VMEM((CH, D), jnp.float32),
            pltpu.VMEM((CH, D), jnp.float32),
            pltpu.VMEM_SHARED((N, D), jnp.float32),
            pltpu.SemaphoreType.DMA,
            pltpu.SemaphoreType.DMA,
        ],
    )
    def k(row_hbm, col_hbm, y_hbm, z_hbm, out_hbm, idxr, idxc, buf0, buf1,
          acc, gsem0, gsem1):
        c = lax.axis_index("c")
        s = lax.axis_index("s")
        wid = c * NS + s

        @pl.when(s < NRB)
        def _():
            pltpu.sync_copy(z_hbm.at[pl.ds(s * RB, RB)],
                            acc.at[pl.ds(s * RB, RB)])

        plsc.subcore_barrier()

        def window(p, carry):
            pltpu.sync_copy(row_hbm.at[wid, p], idxr)
            pltpu.sync_copy(col_hbm.at[wid, p], idxc)
            pltpu.async_copy(y_hbm.at[idxc.at[0]], buf0, gsem0)
            pltpu.async_copy(y_hbm.at[idxc.at[1]], buf1, gsem1)

            def body(i, c2):
                j0 = 2 * i
                j1 = j0 + 1
                pltpu.make_async_copy(y_hbm.at[idxc.at[j0]], buf0,
                                      gsem0).wait()
                pltpu.sync_copy(buf0, acc.at[idxr.at[j0]], add=True)

                @pl.when(j0 + 2 < IC)
                def _():
                    pltpu.async_copy(y_hbm.at[idxc.at[j0 + 2]], buf0, gsem0)

                pltpu.make_async_copy(y_hbm.at[idxc.at[j1]], buf1,
                                      gsem1).wait()
                pltpu.sync_copy(buf1, acc.at[idxr.at[j1]], add=True)

                @pl.when(j1 + 2 < IC)
                def _():
                    pltpu.async_copy(y_hbm.at[idxc.at[j1 + 2]], buf1, gsem1)

                return c2

            lax.fori_loop(0, IC // 2, body, 0)
            if IC % 2:
                jt = IC - 1
                pltpu.make_async_copy(y_hbm.at[idxc.at[jt]], buf0,
                                      gsem0).wait()
                pltpu.sync_copy(buf0, acc.at[idxr.at[jt]], add=True)
            return carry

        lax.fori_loop(0, IP, window, 0)
        plsc.subcore_barrier()

        @pl.when(s < NRB)
        def _():
            pltpu.sync_copy(acc.at[pl.ds(s * RB, RB)],
                            out_hbm.at[c, pl.ds(s * RB, RB)])

    return k(row4, col4, y, zeros_nd)


def _retrieve_block(xb, wq, keys, values, beta):
    q = jnp.dot(xb, wq, preferred_element_type=jnp.float32)
    logits = beta * lax.dot_general(
        q, keys, (((1,), (1,)), ((), ())), preferred_element_type=jnp.float32)
    m = jnp.max(logits, axis=-1, keepdims=True)
    e = jnp.exp(logits - m)
    attn = e / jnp.sum(e, axis=-1, keepdims=True)
    return jnp.dot(attn, values, preferred_element_type=jnp.float32)


def _tc_prep(x, degp, W_q, keys, values, beta2, block_n):
    N, D = x.shape
    K = keys.shape[0]

    def body(x_ref, deg_ref, wq_ref, k_ref, v_ref, b_ref,
             dis_ref, y_ref, r_ref):
        xb = x_ref[...]
        deg = deg_ref[0, :, 0:1] + deg_ref[1, :, 0:1]
        dis = jnp.where(deg > 0, lax.rsqrt(deg), 0.0)
        dis_ref[...] = dis
        y_ref[...] = xb * dis
        r_ref[...] = _retrieve_block(xb, wq_ref[...], k_ref[...], v_ref[...],
                                     b_ref[0, 0])

    return pl.pallas_call(
        body,
        grid=(N // block_n,),
        in_specs=[
            pl.BlockSpec((block_n, D), lambda i: (i, 0)),
            pl.BlockSpec((NC, block_n, D), lambda i: (0, i, 0)),
            pl.BlockSpec((D, D), lambda i: (0, 0)),
            pl.BlockSpec((K, D), lambda i: (0, 0)),
            pl.BlockSpec((K, D), lambda i: (0, 0)),
            pl.BlockSpec(memory_space=pltpu.SMEM),
        ],
        out_specs=[
            pl.BlockSpec((block_n, 1), lambda i: (i, 0)),
            pl.BlockSpec((block_n, D), lambda i: (i, 0)),
            pl.BlockSpec((block_n, D), lambda i: (i, 0)),
        ],
        out_shape=[
            jax.ShapeDtypeStruct((N, 1), jnp.float32),
            jax.ShapeDtypeStruct((N, D), jnp.float32),
            jax.ShapeDtypeStruct((N, D), jnp.float32),
        ],
    )(x, degp, W_q, keys, values, beta2)


def _update_block(xb, rb, aggp, dis):
    agg = dis * (aggp[0] + aggp[1])
    lap = xb - agg
    return (1.0 - ALPHA) * xb + ALPHA * (rb - 2.0 * LAMBDA_GRAPH * lap)


def _tc_update_retrieve(x, r, aggp, dis, W_q, keys, values, beta2, block_n):
    N, D = x.shape
    K = keys.shape[0]

    def body(x_ref, r_ref, agg_ref, dis_ref, wq_ref, k_ref, v_ref, b_ref,
             xn_ref, y_ref, rn_ref):
        dis = dis_ref[...]
        xn = _update_block(x_ref[...], r_ref[...], agg_ref[...], dis)
        xn_ref[...] = xn
        y_ref[...] = xn * dis
        rn_ref[...] = _retrieve_block(xn, wq_ref[...], k_ref[...], v_ref[...],
                                      b_ref[0, 0])

    return pl.pallas_call(
        body,
        grid=(N // block_n,),
        in_specs=[
            pl.BlockSpec((block_n, D), lambda i: (i, 0)),
            pl.BlockSpec((block_n, D), lambda i: (i, 0)),
            pl.BlockSpec((NC, block_n, D), lambda i: (0, i, 0)),
            pl.BlockSpec((block_n, 1), lambda i: (i, 0)),
            pl.BlockSpec((D, D), lambda i: (0, 0)),
            pl.BlockSpec((K, D), lambda i: (0, 0)),
            pl.BlockSpec((K, D), lambda i: (0, 0)),
            pl.BlockSpec(memory_space=pltpu.SMEM),
        ],
        out_specs=[
            pl.BlockSpec((block_n, D), lambda i: (i, 0)),
            pl.BlockSpec((block_n, D), lambda i: (i, 0)),
            pl.BlockSpec((block_n, D), lambda i: (i, 0)),
        ],
        out_shape=[
            jax.ShapeDtypeStruct((N, D), jnp.float32),
            jax.ShapeDtypeStruct((N, D), jnp.float32),
            jax.ShapeDtypeStruct((N, D), jnp.float32),
        ],
    )(x, r, aggp, dis, W_q, keys, values, beta2)


def _tc_final(x, r, aggp, dis, ln_gamma, ln_beta, block_n):
    N, D = x.shape

    def body(x_ref, r_ref, agg_ref, dis_ref, g_ref, b_ref, out_ref):
        xn = _update_block(x_ref[...], r_ref[...], agg_ref[...], dis_ref[...])
        mean = jnp.mean(xn, axis=-1, keepdims=True)
        d = xn - mean
        var = jnp.mean(d * d, axis=-1, keepdims=True)
        out_ref[...] = g_ref[...] * d * lax.rsqrt(var + LN_EPS) + b_ref[...]

    return pl.pallas_call(
        body,
        grid=(N // block_n,),
        in_specs=[
            pl.BlockSpec((block_n, D), lambda i: (i, 0)),
            pl.BlockSpec((block_n, D), lambda i: (i, 0)),
            pl.BlockSpec((NC, block_n, D), lambda i: (0, i, 0)),
            pl.BlockSpec((block_n, 1), lambda i: (i, 0)),
            pl.BlockSpec((D,), lambda i: (0,)),
            pl.BlockSpec((D,), lambda i: (0,)),
        ],
        out_specs=pl.BlockSpec((block_n, D), lambda i: (i, 0)),
        out_shape=jax.ShapeDtypeStruct((N, D), jnp.float32),
    )(x, r, aggp, dis, ln_gamma, ln_beta)


def kernel(x, edge_index, W_q, keys_mem, values_mem, beta, ln_gamma, ln_beta):
    N, D = x.shape
    E = edge_index.shape[1]
    EPW = E // NW
    CH = 80
    NCHUNK = EPW // CH
    IP = 5
    IC = NCHUNK // IP

    ei = edge_index.astype(jnp.int32)
    row4 = ei[0].reshape(NW, IP, IC, CH)
    col4 = ei[1].reshape(NW, IP, IC, CH)
    col3 = ei[1].reshape(NW, NCHUNK, CH)
    zeros_nd = jnp.zeros((N, D), jnp.float32)
    ones_ch = jnp.ones((CH, D), jnp.float32)
    beta2 = jnp.reshape(beta.astype(jnp.float32), (1, 1))
    block_n = 2000

    degp = _sc_degree(col3, ones_ch, zeros_nd)
    dis, y, r = _tc_prep(x, degp, W_q, keys_mem, values_mem, beta2, block_n)
    for it in range(NUM_ITERATIONS):
        aggp = _sc_scatter(row4, col4, y, zeros_nd)
        if it + 1 < NUM_ITERATIONS:
            x, y, r = _tc_update_retrieve(
                x, r, aggp, dis, W_q, keys_mem, values_mem, beta2, block_n)
        else:
            out = _tc_final(x, r, aggp, dis, ln_gamma, ln_beta, block_n)
    return out

# --- scband reference (transcript-rebuilt; emitter-appended) ---
"""Pipeline reference for scband-graph-hopfield-layer-29033978921025 (READ-ONLY COPY).

The authoritative reference and input builder live on the scoring server;
editing this copy changes nothing except your own understanding.
"""

import jax, jax.numpy as jnp
import numpy as np

N_NODES = 10000
N_EDGES = 320000
D = 128
K = 1024
NUM_ITERATIONS = 2
ALPHA = 0.5
LAMBDA_GRAPH = 0.1
LN_EPS = 1e-5


def setup_inputs(seed: int = 0) -> dict:
    key = jax.random.key(seed)
    k_x, k_ei, k_wq, k_keys, k_vals = jax.random.split(key, 5)
    x = jax.random.normal(k_x, (N_NODES, D), dtype=jnp.float32)
    edge_index = jax.random.randint(k_ei, (2, N_EDGES), 0, N_NODES, dtype=jnp.int64)
    # Learnable parameters of the layer
    W_q = jax.random.normal(k_wq, (D, D), dtype=jnp.float32) / np.sqrt(D)
    keys_mem = jax.random.normal(k_keys, (K, D), dtype=jnp.float32) / np.sqrt(D)
    values_mem = jax.random.normal(k_vals, (K, D), dtype=jnp.float32) / np.sqrt(D)
    beta = jnp.asarray(1.0, dtype=jnp.float32)
    ln_gamma = jnp.ones((D,), dtype=jnp.float32)
    ln_beta = jnp.zeros((D,), dtype=jnp.float32)
    return {
        "x": x,
        "edge_index": edge_index,
        "W_q": W_q,
        "keys_mem": keys_mem,
        "values_mem": values_mem,
        "beta": beta,
        "ln_gamma": ln_gamma,
        "ln_beta": ln_beta,
    }


def _laplacian_term(x, row, col, num_nodes):
    # Symmetric normalized Laplacian: L_sym x = x - D^{-1/2} A D^{-1/2} x
    deg = jnp.zeros((num_nodes,), dtype=x.dtype).at[col].add(1.0)
    deg_inv_sqrt = jnp.where(deg > 0, deg ** -0.5, 0.0)
    norm_x = deg_inv_sqrt[:, None] * x
    out = jnp.zeros_like(x).at[row].add(norm_x[col])
    agg = deg_inv_sqrt[:, None] * out
    return x - agg


def _retrieve(x, W_q, keys_mem, values_mem, beta):
    # Hopfield associative retrieval: softmax(beta * q K^T) V
    q = x @ W_q
    logits = beta * (q @ keys_mem.T)
    attn = jax.nn.softmax(logits, axis=-1)
    return attn @ values_mem


def reference(x, edge_index, W_q, keys_mem, values_mem, beta, ln_gamma, ln_beta):
    num_nodes = x.shape[0]
    row = edge_index[0]
    col = edge_index[1]
    # proj_in is Identity since in_dim == out_dim
    for _ in range(NUM_ITERATIONS):
        retrieved = _retrieve(x, W_q, keys_mem, values_mem, beta)
        lap = _laplacian_term(x, row, col, num_nodes)
        laplacian_coeff = 2.0 * LAMBDA_GRAPH
        # use_residual=True damped update
        x = (1.0 - ALPHA) * x + ALPHA * (retrieved - laplacian_coeff * lap)
    # norm_mode='per_layer': LayerNorm applied once after all iterations
    mean = jnp.mean(x, axis=-1, keepdims=True)
    var = jnp.var(x, axis=-1, keepdims=True)
    x = ln_gamma * (x - mean) / jnp.sqrt(var + LN_EPS) + ln_beta
    return x

if __name__ == "__main__":
    import jax
    _d = setup_inputs()
    print(jax.jit(kernel)(*tuple(_d.values())))

</pallas_src>

<mosaic_0001>
#map = affine_map<(d0, d1) -> (0, 0, 0, 0)>
#map1 = affine_map<(d0, d1) -> (0, 0)>
#map2 = affine_map<(d0, d1) -> (0, 0, 0)>
module attributes {stable_mosaic.version = 14 : i64} {
  func.func @k(%arg0: i32, %arg1: i32, %arg2: memref<32x5x25x80xi32, #tpu.memory_space<hbm>>, %arg3: memref<32x5x25x80xi32, #tpu.memory_space<hbm>>, %arg4: memref<10000x128xf32, #tpu.memory_space<hbm>>, %arg5: memref<10000x128xf32, #tpu.memory_space<hbm>>, %arg6: memref<2x10000x128xf32, #tpu.memory_space<hbm>>, %arg7: memref<25x80xi32, #tpu.memory_space<vmem>>, %arg8: memref<25x80xi32, #tpu.memory_space<vmem>>, %arg9: memref<80x128xf32, #tpu.memory_space<vmem>>, %arg10: memref<80x128xf32, #tpu.memory_space<vmem>>, %arg11: memref<10000x128xf32, #tpu.memory_space<vmem_shared>>, %arg12: memref<!tpu.dma_semaphore, #tpu.memory_space<semaphore_mem>>, %arg13: memref<!tpu.dma_semaphore, #tpu.memory_space<semaphore_mem>>) attributes {dimension_semantics = [#tpu.dimension_semantics<core_parallel>, #tpu.dimension_semantics<subcore_parallel>], iteration_bounds = array<i64: 2, 16>, scalar_prefetch = 0 : i64, scratch_operands = 7 : i64, tpu.core_type = #tpu.core_type<sc_vector_subcore>, window_params = [{transform_indices = #map}, {transform_indices = #map}, {transform_indices = #map1}, {transform_indices = #map1}, {transform_indices = #map2}]} {
    %mul3A = arith.constant 16 : i32
    %mul3A_0 = arith.muli %arg0, %mul3A : i32
    %add3A = arith.addi %mul3A_0, %arg1 : i32
    %lt3A = arith.constant 10 : i32
    %lt3A_1 = arith.cmpi slt, %arg1, %lt3A : i32
    %convert_element_type3A = arith.extui %lt3A_1 : i1 to i32
    %cond3A = arith.constant 0 : i32
    %cond3A_2 = arith.cmpi ne, %convert_element_type3A, %cond3A : i32
    scf.if %cond3A_2 {
      %mul3A_14 = arith.constant 1000 : i32
      %mul3A_15 = arith.muli %arg1, %mul3A_14 : i32
      %mul3A_16 = arith.constant 1000 : i32
      %mul3A_17 = arith.muli %arg1, %mul3A_16 : i32
      "tpu.region"() ({
        %run_scoped3A = tpu.sem_alloc : memref<!tpu.dma_semaphore, #tpu.memory_space<semaphore_mem>>
        %dma_start3A = arith.constant 0 : i32
        %dma_start3A_18 = tpu.memref_slice %arg11[%mul3A_17, %dma_start3A] : memref<10000x128xf32, #tpu.memory_space<vmem_shared>> -> memref<1000x128xf32, #tpu.memory_space<vmem_shared>>
        %dma_start3A_19 = arith.constant 0 : i32
        %dma_start3A_20 = tpu.memref_slice %arg5[%mul3A_15, %dma_start3A_19] : memref<10000x128xf32, #tpu.memory_space<hbm>> -> memref<1000x128xf32, #tpu.memory_space<hbm>>
        tpu.enqueue_dma source(%dma_start3A_20 : memref<1000x128xf32, #tpu.memory_space<hbm>>) target(%dma_start3A_18 : memref<1000x128xf32, #tpu.memory_space<vmem_shared>>) target_semaphore(%run_scoped3A : memref<!tpu.dma_semaphore, #tpu.memory_space<semaphore_mem>>)
        %dma_wait3A = arith.constant 0 : i32
        %dma_wait3A_21 = tpu.memref_slice %arg11[%mul3A_17, %dma_wait3A] : memref<10000x128xf32, #tpu.memory_space<vmem_shared>> -> memref<1000x128xf32, #tpu.memory_space<vmem_shared>>
        %dma_wait3A_22 = arith.constant 0 : i32
        %dma_wait3A_23 = tpu.memref_slice %arg5[%mul3A_15, %dma_wait3A_22] : memref<10000x128xf32, #tpu.memory_space<hbm>> -> memref<1000x128xf32, #tpu.memory_space<hbm>>
        tpu.wait_dma2 semaphore(%run_scoped3A : memref<!tpu.dma_semaphore, #tpu.memory_space<semaphore_mem>>) src(%dma_wait3A_23 : memref<1000x128xf32, #tpu.memory_space<hbm>>) dst(%dma_wait3A_21 : memref<1000x128xf32, #tpu.memory_space<vmem_shared>>)
        tpu.yield
      }) : () -> ()
    } else {
    }
    %barrier3A = arith.constant 0 : index
    tpu.barrier barrier_id(%barrier3A)
    %scan3A = arith.constant 0 : i32
    %scan3A_3 = arith.constant 0 : i32
    %scan3A_4 = arith.constant 5 : i32
    %scan3A_5 = arith.addi %scan3A_3, %scan3A_4 : i32
    %scan3A_6 = arith.constant 1 : i32
    scf.for %scan3A_14 = %scan3A_3 to %scan3A_5 step %scan3A_6  : i32 {
      "tpu.region"() ({
        %run_scoped3A_40 = tpu.sem_alloc : memref<!tpu.dma_semaphore, #tpu.memory_space<semaphore_mem>>
        %dma_start3A_41 = arith.constant 0 : i32
        %dma_start3A_42 = arith.constant 0 : i32
        %dma_start3A_43 = tpu.memref_slice %arg2[%add3A, %scan3A_14, %dma_start3A_41, %dma_start3A_42] : memref<32x5x25x80xi32, #tpu.memory_space<hbm>> -> memref<1x1x25x80xi32, #tpu.memory_space<hbm>>
        %dma_start3A_44 = tpu.memref_squeeze %dma_start3A_43 : memref<1x1x25x80xi32, #tpu.memory_space<hbm>> -> memref<25x80xi32, #tpu.memory_space<hbm>>
        %dma_start3A_45 = arith.constant 0 : i32
        %dma_start3A_46 = arith.constant 0 : i32
        %dma_start3A_47 = tpu.memref_slice %arg2[%add3A, %scan3A_14, %dma_start3A_45, %dma_start3A_46] : memref<32x5x25x80xi32, #tpu.memory_space<hbm>> -> memref<1x1x25x80xi32, #tpu.memory_space<hbm>>
        %dma_start3A_48 = tpu.memref_squeeze %dma_start3A_47 : memref<1x1x25x80xi32, #tpu.memory_space<hbm>> -> memref<25x80xi32, #tpu.memory_space<hbm>>
        tpu.enqueue_dma source(%dma_start3A_48 : memref<25x80xi32, #tpu.memory_space<hbm>>) target(%arg7 : memref<25x80xi32, #tpu.memory_space<vmem>>) target_semaphore(%run_scoped3A_40 : memref<!tpu.dma_semaphore, #tpu.memory_space<semaphore_mem>>)
        %dma_wait3A_49 = arith.constant 0 : i32
        %dma_wait3A_50 = arith.constant 0 : i32
        %dma_wait3A_51 = tpu.memref_slice %arg2[%add3A, %scan3A_14, %dma_wait3A_49, %dma_wait3A_50] : memref<32x5x25x80xi32, #tpu.memory_space<hbm>> -> memref<1x1x25x80xi32, #tpu.memory_space<hbm>>
        %dma_wait3A_52 = tpu.memref_squeeze %dma_wait3A_51 : memref<1x1x25x80xi32, #tpu.memory_space<hbm>> -> memref<25x80xi32, #tpu.memory_space<hbm>>
        %dma_wait3A_53 = arith.constant 0 : i32
        %dma_wait3A_54 = arith.constant 0 : i32
        %dma_wait3A_55 = tpu.memref_slice %arg2[%add3A, %scan3A_14, %dma_wait3A_53, %dma_wait3A_54] : memref<32x5x25x80xi32, #tpu.memory_space<hbm>> -> memref<1x1x25x80xi32, #tpu.memory_space<hbm>>
        %dma_wait3A_56 = tpu.memref_squeeze %dma_wait3A_55 : memref<1x1x25x80xi32, #tpu.memory_space<hbm>> -> memref<25x80xi32, #tpu.memory_space<hbm>>
        tpu.wait_dma2 semaphore(%run_scoped3A_40 : memref<!tpu.dma_semaphore, #tpu.memory_space<semaphore_mem>>) src(%dma_wait3A_56 : memref<25x80xi32, #tpu.memory_space<hbm>>) dst(%arg7 : memref<25x80xi32, #tpu.memory_space<vmem>>)
        tpu.yield
      }) : () -> ()
      "tpu.region"() ({
        %run_scoped3A_40 = tpu.sem_alloc : memref<!tpu.dma_semaphore, #tpu.memory_space<semaphore_mem>>
        %dma_start3A_41 = arith.constant 0 : i32
        %dma_start3A_42 = arith.constant 0 : i32
        %dma_start3A_43 = tpu.memref_slice %arg3[%add3A, %scan3A_14, %dma_start3A_41, %dma_start3A_42] : memref<32x5x25x80xi32, #tpu.memory_space<hbm>> -> memref<1x1x25x80xi32, #tpu.memory_space<hbm>>
        %dma_start3A_44 = tpu.memref_squeeze %dma_start3A_43 : memref<1x1x25x80xi32, #tpu.memory_space<hbm>> -> memref<25x80xi32, #tpu.memory_space<hbm>>
        %dma_start3A_45 = arith.constant 0 : i32
        %dma_start3A_46 = arith.constant 0 : i32
        %dma_start3A_47 = tpu.memref_slice %arg3[%add3A, %scan3A_14, %dma_start3A_45, %dma_start3A_46] : memref<32x5x25x80xi32, #tpu.memory_space<hbm>> -> memref<1x1x25x80xi32, #tpu.memory_space<hbm>>
        %dma_start3A_48 = tpu.memref_squeeze %dma_start3A_47 : memref<1x1x25x80xi32, #tpu.memory_space<hbm>> -> memref<25x80xi32, #tpu.memory_space<hbm>>
        tpu.enqueue_dma source(%dma_start3A_48 : memref<25x80xi32, #tpu.memory_space<hbm>>) target(%arg8 : memref<25x80xi32, #tpu.memory_space<vmem>>) target_semaphore(%run_scoped3A_40 : memref<!tpu.dma_semaphore, #tpu.memory_space<semaphore_mem>>)
        %dma_wait3A_49 = arith.constant 0 : i32
        %dma_wait3A_50 = arith.constant 0 : i32
        %dma_wait3A_51 = tpu.memref_slice %arg3[%add3A, %scan3A_14, %dma_wait3A_49, %dma_wait3A_50] : memref<32x5x25x80xi32, #tpu.memory_space<hbm>> -> memref<1x1x25x80xi32, #tpu.memory_space<hbm>>
        %dma_wait3A_52 = tpu.memref_squeeze %dma_wait3A_51 : memref<1x1x25x80xi32, #tpu.memory_space<hbm>> -> memref<25x80xi32, #tpu.memory_space<hbm>>
        %dma_wait3A_53 = arith.constant 0 : i32
        %dma_wait3A_54 = arith.constant 0 : i32
        %dma_wait3A_55 = tpu.memref_slice %arg3[%add3A, %scan3A_14, %dma_wait3A_53, %dma_wait3A_54] : memref<32x5x25x80xi32, #tpu.memory_space<hbm>> -> memref<1x1x25x80xi32, #tpu.memory_space<hbm>>
        %dma_wait3A_56 = tpu.memref_squeeze %dma_wait3A_55 : memref<1x1x25x80xi32, #tpu.memory_space<hbm>> -> memref<25x80xi32, #tpu.memory_space<hbm>>
        tpu.wait_dma2 semaphore(%run_scoped3A_40 : memref<!tpu.dma_semaphore, #tpu.memory_space<semaphore_mem>>) src(%dma_wait3A_56 : memref<25x80xi32, #tpu.memory_space<hbm>>) dst(%arg8 : memref<25x80xi32, #tpu.memory_space<vmem>>)
        tpu.yield
      }) : () -> ()
      %dma_start3A = arith.constant 0 : i32
      %dma_start3A_15 = arith.constant 0 : i32
      %dma_start3A_16 = tpu.memref_slice %arg8[%dma_start3A, %dma_start3A_15] : memref<25x80xi32, #tpu.memory_space<vmem>> -> memref<1x80xi32, #tpu.memory_space<vmem>>
      %dma_start3A_17 = tpu.memref_squeeze %dma_start3A_16 : memref<1x80xi32, #tpu.memory_space<vmem>> -> memref<80xi32, #tpu.memory_space<vmem>>
      %dma_start3A_18 = arith.constant 0 : i32
      %dma_start3A_19 = arith.constant 0 : i32
      %dma_start3A_20 = tpu.memref_slice %arg4[%dma_start3A_18, %dma_start3A_19] : memref<10000x128xf32, #tpu.memory_space<hbm>> -> memref<10000x128xf32, #tpu.memory_space<hbm>>
      tpu.enqueue_indirect_dma source(%dma_start3A_20 : memref<10000x128xf32, #tpu.memory_space<hbm>>) target(%arg9 : memref<80x128xf32, #tpu.memory_space<vmem>>) offsets(%dma_start3A_17 : memref<80xi32, #tpu.memory_space<vmem>>) semaphore(%arg12 : memref<!tpu.dma_semaphore, #tpu.memory_space<semaphore_mem>>)
      %dma_start3A_21 = arith.constant 1 : i32
      %dma_start3A_22 = arith.constant 0 : i32
      %dma_start3A_23 = tpu.memref_slice %arg8[%dma_start3A_21, %dma_start3A_22] : memref<25x80xi32, #tpu.memory_space<vmem>> -> memref<1x80xi32, #tpu.memory_space<vmem>>
      %dma_start3A_24 = tpu.memref_squeeze %dma_start3A_23 : memref<1x80xi32, #tpu.memory_space<vmem>> -> memref<80xi32, #tpu.memory_space<vmem>>
      %dma_start3A_25 = arith.constant 0 : i32
      %dma_start3A_26 = arith.constant 0 : i32
      %dma_start3A_27 = tpu.memref_slice %arg4[%dma_start3A_25, %dma_start3A_26] : memref<10000x128xf32, #tpu.memory_space<hbm>> -> memref<10000x128xf32, #tpu.memory_space<hbm>>
      tpu.enqueue_indirect_dma source(%dma_start3A_27 : memref<10000x128xf32, #tpu.memory_space<hbm>>) target(%arg10 : memref<80x128xf32, #tpu.memory_space<vmem>>) offsets(%dma_start3A_24 : memref<80xi32, #tpu.memory_space<vmem>>) semaphore(%arg13 : memref<!tpu.dma_semaphore, #tpu.memory_space<semaphore_mem>>)
      %scan3A_28 = arith.constant 0 : i32
      %scan3A_29 = arith.constant 0 : i32
      %scan3A_30 = arith.constant 12 : i32
      %scan3A_31 = arith.addi %scan3A_29, %scan3A_30 : i32
      %scan3A_32 = arith.constant 1 : i32
      scf.for %scan3A_40 = %scan3A_29 to %scan3A_31 step %scan3A_32  : i32 {
        %mul3A_41 = arith.constant 2 : i32
        %mul3A_42 = arith.muli %mul3A_41, %scan3A_40 : i32
        %add3A_43 = arith.constant 1 : i32
        %add3A_44 = arith.addi %mul3A_42, %add3A_43 : i32
        %dma_wait3A_45 = arith.constant 0 : i32
        %dma_wait3A_46 = tpu.memref_slice %arg8[%mul3A_42, %dma_wait3A_45] : memref<25x80xi32, #tpu.memory_space<vmem>> -> memref<1x80xi32, #tpu.memory_space<vmem>>
        %dma_wait3A_47 = tpu.memref_squeeze %dma_wait3A_46 : memref<1x80xi32, #tpu.memory_space<vmem>> -> memref<80xi32, #tpu.memory_space<vmem>>
        %dma_wait3A_48 = arith.constant 0 : i32
        %dma_wait3A_49 = arith.constant 0 : i32
        %dma_wait3A_50 = tpu.memref_slice %arg4[%dma_wait3A_48, %dma_wait3A_49] : memref<10000x128xf32, #tpu.memory_space<hbm>> -> memref<10000x128xf32, #tpu.memory_space<hbm>>
        tpu.wait_indirect_dma semaphore(%arg12 : memref<!tpu.dma_semaphore, #tpu.memory_space<semaphore_mem>>) src(%dma_wait3A_50 : memref<10000x128xf32, #tpu.memory_space<hbm>>) dst(%arg9 : memref<80x128xf32, #tpu.memory_space<vmem>>)
        "tpu.region"() ({
          %run_scoped3A_71 = tpu.sem_alloc : memref<!tpu.dma_semaphore, #tpu.memory_space<semaphore_mem>>
          %dma_start3A_72 = arith.constant 0 : i32
          %dma_start3A_73 = tpu.memref_slice %arg7[%mul3A_42, %dma_start3A_72] : memref<25x80xi32, #tpu.memory_space<vmem>> -> memref<1x80xi32, #tpu.memory_space<vmem>>
          %dma_start3A_74 = tpu.memref_squeeze %dma_start3A_73 : memref<1x80xi32, #tpu.memory_space<vmem>> -> memref<80xi32, #tpu.memory_space<vmem>>
          %dma_start3A_75 = arith.constant 0 : i32
          %dma_start3A_76 = arith.constant 0 : i32
          %dma_start3A_77 = tpu.memref_slice %arg11[%dma_start3A_75, %dma_start3A_76] : memref<10000x128xf32, #tpu.memory_space<vmem_shared>> -> memref<10000x128xf32, #tpu.memory_space<vmem_shared>>
          tpu.enqueue_indirect_dma source(%arg9 : memref<80x128xf32, #tpu.memory_space<vmem>>) target(%dma_start3A_77 : memref<10000x128xf32, #tpu.memory_space<vmem_shared>>) offsets(%dma_start3A_74 : memref<80xi32, #tpu.memory_space<vmem>>) semaphore(%run_scoped3A_71 : memref<!tpu.dma_semaphore, #tpu.memory_space<semaphore_mem>>) {add = true}
          %dma_wait3A_78 = arith.constant 0 : i32
          %dma_wait3A_79 = tpu.memref_slice %arg7[%mul3A_42, %dma_wait3A_78] : memref<25x80xi32, #tpu.memory_space<vmem>> -> memref<1x80xi32, #tpu.memory_space<vmem>>
          %dma_wait3A_80 = tpu.memref_squeeze %dma_wait3A_79 : memref<1x80xi32, #tpu.memory_space<vmem>> -> memref<80xi32, #tpu.memory_space<vmem>>
          %dma_wait3A_81 = arith.constant 0 : i32
          %dma_wait3A_82 = arith.constant 0 : i32
          %dma_wait3A_83 = tpu.memref_slice %arg11[%dma_wait3A_81, %dma_wait3A_82] : memref<10000x128xf32, #tpu.memory_space<vmem_shared>> -> memref<10000x128xf32, #tpu.memory_space<vmem_shared>>
          tpu.wait_indirect_dma semaphore(%run_scoped3A_71 : memref<!tpu.dma_semaphore, #tpu.memory_space<semaphore_mem>>) src(%arg9 : memref<80x128xf32, #tpu.memory_space<vmem>>) dst(%dma_wait3A_83 : memref<10000x128xf32, #tpu.memory_space<vmem_shared>>)
          tpu.yield
        }) : () -> ()
        %add3A_51 = arith.constant 2 : i32
        %add3A_52 = arith.addi %mul3A_42, %add3A_51 : i32
        %lt3A_53 = arith.constant 25 : i32
        %lt3A_54 = arith.cmpi slt, %add3A_52, %lt3A_53 : i32
        %convert_element_type3A_55 = arith.extui %lt3A_54 : i1 to i32
        %cond3A_56 = arith.constant 0 : i32
        %cond3A_57 = arith.cmpi ne, %convert_element_type3A_55, %cond3A_56 : i32
        scf.if %cond3A_57 {
          %add3A_71 = arith.constant 2 : i32
          %add3A_72 = arith.addi %mul3A_42, %add3A_71 : i32
          %dma_start3A_73 = arith.constant 0 : i32
          %dma_start3A_74 = tpu.memref_slice %arg8[%add3A_72, %dma_start3A_73] : memref<25x80xi32, #tpu.memory_space<vmem>> -> memref<1x80xi32, #tpu.memory_space<vmem>>
          %dma_start3A_75 = tpu.memref_squeeze %dma_start3A_74 : memref<1x80xi32, #tpu.memory_space<vmem>> -> memref<80xi32, #tpu.memory_space<vmem>>
          %dma_start3A_76 = arith.constant 0 : i32
          %dma_start3A_77 = arith.constant 0 : i32
          %dma_start3A_78 = tpu.memref_slice %arg4[%dma_start3A_76, %dma_start3A_77] : memref<10000x128xf32, #tpu.memory_space<hbm>> -> memref<10000x128xf32, #tpu.memory_space<hbm>>
          tpu.enqueue_indirect_dma source(%dma_start3A_78 : memref<10000x128xf32, #tpu.memory_space<hbm>>) target(%arg9 : memref<80x128xf32, #tpu.memory_space<vmem>>) offsets(%dma_start3A_75 : memref<80xi32, #tpu.memory_space<vmem>>) semaphore(%arg12 : memref<!tpu.dma_semaphore, #tpu.memory_space<semaphore_mem>>)
        } else {
        }
        %dma_wait3A_58 = arith.constant 0 : i32
        %dma_wait3A_59 = tpu.memref_slice %arg8[%add3A_44, %dma_wait3A_58] : memref<25x80xi32, #tpu.memory_space<vmem>> -> memref<1x80xi32, #tpu.memory_space<vmem>>
        %dma_wait3A_60 = tpu.memref_squeeze %dma_wait3A_59 : memref<1x80xi32, #tpu.memory_space<vmem>> -> memref<80xi32, #tpu.memory_space<vmem>>
        %dma_wait3A_61 = arith.constant 0 : i32
        %dma_wait3A_62 = arith.constant 0 : i32
        %dma_wait3A_63 = tpu.memref_slice %arg4[%dma_wait3A_61, %dma_wait3A_62] : memref<10000x128xf32, #tpu.memory_space<hbm>> -> memref<10000x128xf32, #tpu.memory_space<hbm>>
        tpu.wait_indirect_dma semaphore(%arg13 : memref<!tpu.dma_semaphore, #tpu.memory_space<semaphore_mem>>) src(%dma_wait3A_63 : memref<10000x128xf32, #tpu.memory_space<hbm>>) dst(%arg10 : memref<80x128xf32, #tpu.memory_space<vmem>>)
        "tpu.region"() ({
          %run_scoped3A_71 = tpu.sem_alloc : memref<!tpu.dma_semaphore, #tpu.memory_space<semaphore_mem>>
          %dma_start3A_72 = arith.constant 0 : i32
          %dma_start3A_73 = tpu.memref_slice %arg7[%add3A_44, %dma_start3A_72] : memref<25x80xi32, #tpu.memory_space<vmem>> -> memref<1x80xi32, #tpu.memory_space<vmem>>
          %dma_start3A_74 = tpu.memref_squeeze %dma_start3A_73 : memref<1x80xi32, #tpu.memory_space<vmem>> -> memref<80xi32, #tpu.memory_space<vmem>>
          %dma_start3A_75 = arith.constant 0 : i32
          %dma_start3A_76 = arith.constant 0 : i32
          %dma_start3A_77 = tpu.memref_slice %arg11[%dma_start3A_75, %dma_start3A_76] : memref<10000x128xf32, #tpu.memory_space<vmem_shared>> -> memref<10000x128xf32, #tpu.memory_space<vmem_shared>>
          tpu.enqueue_indirect_dma source(%arg10 : memref<80x128xf32, #tpu.memory_space<vmem>>) target(%dma_start3A_77 : memref<10000x128xf32, #tpu.memory_space<vmem_shared>>) offsets(%dma_start3A_74 : memref<80xi32, #tpu.memory_space<vmem>>) semaphore(%run_scoped3A_71 : memref<!tpu.dma_semaphore, #tpu.memory_space<semaphore_mem>>) {add = true}
          %dma_wait3A_78 = arith.constant 0 : i32
          %dma_wait3A_79 = tpu.memref_slice %arg7[%add3A_44, %dma_wait3A_78] : memref<25x80xi32, #tpu.memory_space<vmem>> -> memref<1x80xi32, #tpu.memory_space<vmem>>
          %dma_wait3A_80 = tpu.memref_squeeze %dma_wait3A_79 : memref<1x80xi32, #tpu.memory_space<vmem>> -> memref<80xi32, #tpu.memory_space<vmem>>
          %dma_wait3A_81 = arith.constant 0 : i32
          %dma_wait3A_82 = arith.constant 0 : i32
          %dma_wait3A_83 = tpu.memref_slice %arg11[%dma_wait3A_81, %dma_wait3A_82] : memref<10000x128xf32, #tpu.memory_space<vmem_shared>> -> memref<10000x128xf32, #tpu.memory_space<vmem_shared>>
          tpu.wait_indirect_dma semaphore(%run_scoped3A_71 : memref<!tpu.dma_semaphore, #tpu.memory_space<semaphore_mem>>) src(%arg10 : memref<80x128xf32, #tpu.memory_space<vmem>>) dst(%dma_wait3A_83 : memref<10000x128xf32, #tpu.memory_space<vmem_shared>>)
          tpu.yield
        }) : () -> ()
        %add3A_64 = arith.constant 2 : i32
        %add3A_65 = arith.addi %add3A_44, %add3A_64 : i32
        %lt3A_66 = arith.constant 25 : i32
        %lt3A_67 = arith.cmpi slt, %add3A_65, %lt3A_66 : i32
        %convert_element_type3A_68 = arith.extui %lt3A_67 : i1 to i32
        %cond3A_69 = arith.constant 0 : i32
        %cond3A_70 = arith.cmpi ne, %convert_element_type3A_68, %cond3A_69 : i32
        scf.if %cond3A_70 {
          %add3A_71 = arith.constant 2 : i32
          %add3A_72 = arith.addi %add3A_44, %add3A_71 : i32
          %dma_start3A_73 = arith.constant 0 : i32
          %dma_start3A_74 = tpu.memref_slice %arg8[%add3A_72, %dma_start3A_73] : memref<25x80xi32, #tpu.memory_space<vmem>> -> memref<1x80xi32, #tpu.memory_space<vmem>>
          %dma_start3A_75 = tpu.memref_squeeze %dma_start3A_74 : memref<1x80xi32, #tpu.memory_space<vmem>> -> memref<80xi32, #tpu.memory_space<vmem>>
          %dma_start3A_76 = arith.constant 0 : i32
          %dma_start3A_77 = arith.constant 0 : i32
          %dma_start3A_78 = tpu.memref_slice %arg4[%dma_start3A_76, %dma_start3A_77] : memref<10000x128xf32, #tpu.memory_space<hbm>> -> memref<10000x128xf32, #tpu.memory_space<hbm>>
          tpu.enqueue_indirect_dma source(%dma_start3A_78 : memref<10000x128xf32, #tpu.memory_space<hbm>>) target(%arg10 : memref<80x128xf32, #tpu.memory_space<vmem>>) offsets(%dma_start3A_75 : memref<80xi32, #tpu.memory_space<vmem>>) semaphore(%arg13 : memref<!tpu.dma_semaphore, #tpu.memory_space<semaphore_mem>>)
        } else {
        }
      }
      %scan3A_33 = arith.constant 12 : i32
      %dma_wait3A = arith.constant 24 : i32
      %dma_wait3A_34 = arith.constant 0 : i32
      %dma_wait3A_35 = tpu.memref_slice %arg8[%dma_wait3A, %dma_wait3A_34] : memref<25x80xi32, #tpu.memory_space<vmem>> -> memref<1x80xi32, #tpu.memory_space<vmem>>
      %dma_wait3A_36 = tpu.memref_squeeze %dma_wait3A_35 : memref<1x80xi32, #tpu.memory_space<vmem>> -> memref<80xi32, #tpu.memory_space<vmem>>
      %dma_wait3A_37 = arith.constant 0 : i32
      %dma_wait3A_38 = arith.constant 0 : i32
      %dma_wait3A_39 = tpu.memref_slice %arg4[%dma_wait3A_37, %dma_wait3A_38] : memref<10000x128xf32, #tpu.memory_space<hbm>> -> memref<10000x128xf32, #tpu.memory_space<hbm>>
      tpu.wait_indirect_dma semaphore(%arg12 : memref<!tpu.dma_semaphore, #tpu.memory_space<semaphore_mem>>) src(%dma_wait3A_39 : memref<10000x128xf32, #tpu.memory_space<hbm>>) dst(%arg9 : memref<80x128xf32, #tpu.memory_space<vmem>>)
      %run_scoped3A = arith.constant 24 : i32
      "tpu.region"() ({
        %run_scoped3A_40 = tpu.sem_alloc : memref<!tpu.dma_semaphore, #tpu.memory_space<semaphore_mem>>
        %dma_start3A_41 = arith.constant 0 : i32
        %dma_start3A_42 = tpu.memref_slice %arg7[%run_scoped3A, %dma_start3A_41] : memref<25x80xi32, #tpu.memory_space<vmem>> -> memref<1x80xi32, #tpu.memory_space<vmem>>
        %dma_start3A_43 = tpu.memref_squeeze %dma_start3A_42 : memref<1x80xi32, #tpu.memory_space<vmem>> -> memref<80xi32, #tpu.memory_space<vmem>>
        %dma_start3A_44 = arith.constant 0 : i32
        %dma_start3A_45 = arith.constant 0 : i32
        %dma_start3A_46 = tpu.memref_slice %arg11[%dma_start3A_44, %dma_start3A_45] : memref<10000x128xf32, #tpu.memory_space<vmem_shared>> -> memref<10000x128xf32, #tpu.memory_space<vmem_shared>>
        tpu.enqueue_indirect_dma source(%arg9 : memref<80x128xf32, #tpu.memory_space<vmem>>) target(%dma_start3A_46 : memref<10000x128xf32, #tpu.memory_space<vmem_shared>>) offsets(%dma_start3A_43 : memref<80xi32, #tpu.memory_space<vmem>>) semaphore(%run_scoped3A_40 : memref<!tpu.dma_semaphore, #tpu.memory_space<semaphore_mem>>) {add = true}
        %dma_wait3A_47 = arith.constant 0 : i32
        %dma_wait3A_48 = tpu.memref_slice %arg7[%run_scoped3A, %dma_wait3A_47] : memref<25x80xi32, #tpu.memory_space<vmem>> -> memref<1x80xi32, #tpu.memory_space<vmem>>
        %dma_wait3A_49 = tpu.memref_squeeze %dma_wait3A_48 : memref<1x80xi32, #tpu.memory_space<vmem>> -> memref<80xi32, #tpu.memory_space<vmem>>
        %dma_wait3A_50 = arith.constant 0 : i32
        %dma_wait3A_51 = arith.constant 0 : i32
        %dma_wait3A_52 = tpu.memref_slice %arg11[%dma_wait3A_50, %dma_wait3A_51] : memref<10000x128xf32, #tpu.memory_space<vmem_shared>> -> memref<10000x128xf32, #tpu.memory_space<vmem_shared>>
        tpu.wait_indirect_dma semaphore(%run_scoped3A_40 : memref<!tpu.dma_semaphore, #tpu.memory_space<semaphore_mem>>) src(%arg9 : memref<80x128xf32, #tpu.memory_space<vmem>>) dst(%dma_wait3A_52 : memref<10000x128xf32, #tpu.memory_space<vmem_shared>>)
        tpu.yield
      }) : () -> ()
    }
    %scan3A_7 = arith.constant 5 : i32
    %barrier3A_8 = arith.constant 0 : index
    tpu.barrier barrier_id(%barrier3A_8)
    %lt3A_9 = arith.constant 10 : i32
    %lt3A_10 = arith.cmpi slt, %arg1, %lt3A_9 : i32
    %convert_element_type3A_11 = arith.extui %lt3A_10 : i1 to i32
    %cond3A_12 = arith.constant 0 : i32
    %cond3A_13 = arith.cmpi ne, %convert_element_type3A_11, %cond3A_12 : i32
    scf.if %cond3A_13 {
      %mul3A_14 = arith.constant 1000 : i32
      %mul3A_15 = arith.muli %arg1, %mul3A_14 : i32
      %mul3A_16 = arith.constant 1000 : i32
      %mul3A_17 = arith.muli %arg1, %mul3A_16 : i32
      "tpu.region"() ({
        %run_scoped3A = tpu.sem_alloc : memref<!tpu.dma_semaphore, #tpu.memory_space<semaphore_mem>>
        %dma_start3A = arith.constant 0 : i32
        %dma_start3A_18 = tpu.memref_slice %arg6[%arg0, %mul3A_17, %dma_start3A] : memref<2x10000x128xf32, #tpu.memory_space<hbm>> -> memref<1x1000x128xf32, #tpu.memory_space<hbm>>
        %dma_start3A_19 = tpu.memref_squeeze %dma_start3A_18 : memref<1x1000x128xf32, #tpu.memory_space<hbm>> -> memref<1000x128xf32, #tpu.memory_space<hbm>>
        %dma_start3A_20 = arith.constant 0 : i32
        %dma_start3A_21 = tpu.memref_slice %arg11[%mul3A_15, %dma_start3A_20] : memref<10000x128xf32, #tpu.memory_space<vmem_shared>> -> memref<1000x128xf32, #tpu.memory_space<vmem_shared>>
        tpu.enqueue_dma source(%dma_start3A_21 : memref<1000x128xf32, #tpu.memory_space<vmem_shared>>) target(%dma_start3A_19 : memref<1000x128xf32, #tpu.memory_space<hbm>>) target_semaphore(%run_scoped3A : memref<!tpu.dma_semaphore, #tpu.memory_space<semaphore_mem>>)
        %dma_wait3A = arith.constant 0 : i32
        %dma_wait3A_22 = tpu.memref_slice %arg6[%arg0, %mul3A_17, %dma_wait3A] : memref<2x10000x128xf32, #tpu.memory_space<hbm>> -> memref<1x1000x128xf32, #tpu.memory_space<hbm>>
        %dma_wait3A_23 = tpu.memref_squeeze %dma_wait3A_22 : memref<1x1000x128xf32, #tpu.memory_space<hbm>> -> memref<1000x128xf32, #tpu.memory_space<hbm>>
        %dma_wait3A_24 = arith.constant 0 : i32
        %dma_wait3A_25 = tpu.memref_slice %arg11[%mul3A_15, %dma_wait3A_24] : memref<10000x128xf32, #tpu.memory_space<vmem_shared>> -> memref<1000x128xf32, #tpu.memory_space<vmem_shared>>
        tpu.wait_dma2 semaphore(%run_scoped3A : memref<!tpu.dma_semaphore, #tpu.memory_space<semaphore_mem>>) src(%dma_wait3A_25 : memref<1000x128xf32, #tpu.memory_space<vmem_shared>>) dst(%dma_wait3A_23 : memref<1000x128xf32, #tpu.memory_space<hbm>>)
        tpu.yield
      }) : () -> ()
    } else {
    }
    return
  }
}

#map = affine_map<(d0, d1) -> (0, 0, 0, 0)>
#map1 = affine_map<(d0, d1) -> (0, 0)>
#map2 = affine_map<(d0, d1) -> (0, 0, 0)>
module attributes {stable_mosaic.version = 14 : i64} {
  func.func @k(%arg0: i32, %arg1: i32, %arg2: memref<32x5x25x80xi32, #tpu.memory_space<hbm>>, %arg3: memref<32x5x25x80xi32, #tpu.memory_space<hbm>>, %arg4: memref<10000x128xf32, #tpu.memory_space<hbm>>, %arg5: memref<10000x128xf32, #tpu.memory_space<hbm>>, %arg6: memref<2x10000x128xf32, #tpu.memory_space<hbm>>, %arg7: memref<25x80xi32, #tpu.memory_space<vmem>>, %arg8: memref<25x80xi32, #tpu.memory_space<vmem>>, %arg9: memref<80x128xf32, #tpu.memory_space<vmem>>, %arg10: memref<80x128xf32, #tpu.memory_space<vmem>>, %arg11: memref<10000x128xf32, #tpu.memory_space<vmem_shared>>, %arg12: memref<!tpu.dma_semaphore, #tpu.memory_space<semaphore_mem>>, %arg13: memref<!tpu.dma_semaphore, #tpu.memory_space<semaphore_mem>>) attributes {dimension_semantics = [#tpu.dimension_semantics<core_parallel>, #tpu.dimension_semantics<subcore_parallel>], iteration_bounds = array<i64: 2, 16>, scalar_prefetch = 0 : i64, scratch_operands = 7 : i64, tpu.core_type = #tpu.core_type<sc_vector_subcore>, window_params = [{transform_indices = #map}, {transform_indices = #map}, {transform_indices = #map1}, {transform_indices = #map1}, {transform_indices = #map2}]} {
    %mul3A = arith.constant 16 : i32
    %mul3A_0 = arith.muli %arg0, %mul3A : i32
    %add3A = arith.addi %mul3A_0, %arg1 : i32
    %lt3A = arith.constant 10 : i32
    %lt3A_1 = arith.cmpi slt, %arg1, %lt3A : i32
    %convert_element_type3A = arith.extui %lt3A_1 : i1 to i32
    %cond3A = arith.constant 0 : i32
    %cond3A_2 = arith.cmpi ne, %convert_element_type3A, %cond3A : i32
    scf.if %cond3A_2 {
      %mul3A_14 = arith.constant 1000 : i32
      %mul3A_15 = arith.muli %arg1, %mul3A_14 : i32
      %mul3A_16 = arith.constant 1000 : i32
      %mul3A_17 = arith.muli %arg1, %mul3A_16 : i32
      "tpu.region"() ({
        %run_scoped3A = tpu.sem_alloc : memref<!tpu.dma_semaphore, #tpu.memory_space<semaphore_mem>>
        %dma_start3A = arith.constant 0 : i32
        %dma_start3A_18 = tpu.memref_slice %arg11[%mul3A_17, %dma_start3A] : memref<10000x128xf32, #tpu.memory_space<vmem_shared>> -> memref<1000x128xf32, #tpu.memory_space<vmem_shared>>
        %dma_start3A_19 = arith.constant 0 : i32
        %dma_start3A_20 = tpu.memref_slice %arg5[%mul3A_15, %dma_start3A_19] : memref<10000x128xf32, #tpu.memory_space<hbm>> -> memref<1000x128xf32, #tpu.memory_space<hbm>>
        tpu.enqueue_dma source(%dma_start3A_20 : memref<1000x128xf32, #tpu.memory_space<hbm>>) target(%dma_start3A_18 : memref<1000x128xf32, #tpu.memory_space<vmem_shared>>) target_semaphore(%run_scoped3A : memref<!tpu.dma_semaphore, #tpu.memory_space<semaphore_mem>>)
        %dma_wait3A = arith.constant 0 : i32
        %dma_wait3A_21 = tpu.memref_slice %arg11[%mul3A_17, %dma_wait3A] : memref<10000x128xf32, #tpu.memory_space<vmem_shared>> -> memref<1000x128xf32, #tpu.memory_space<vmem_shared>>
        %dma_wait3A_22 = arith.constant 0 : i32
        %dma_wait3A_23 = tpu.memref_slice %arg5[%mul3A_15, %dma_wait3A_22] : memref<10000x128xf32, #tpu.memory_space<hbm>> -> memref<1000x128xf32, #tpu.memory_space<hbm>>
        tpu.wait_dma2 semaphore(%run_scoped3A : memref<!tpu.dma_semaphore, #tpu.memory_space<semaphore_mem>>) src(%dma_wait3A_23 : memref<1000x128xf32, #tpu.memory_space<hbm>>) dst(%dma_wait3A_21 : memref<1000x128xf32, #tpu.memory_space<vmem_shared>>)
        tpu.yield
      }) : () -> ()
    } else {
    }
    %barrier3A = arith.constant 0 : index
    tpu.barrier barrier_id(%barrier3A)
    %scan3A = arith.constant 0 : i32
    %scan3A_3 = arith.constant 0 : i32
    %scan3A_4 = arith.constant 5 : i32
    %scan3A_5 = arith.addi %scan3A_3, %scan3A_4 : i32
    %scan3A_6 = arith.constant 1 : i32
    scf.for %scan3A_14 = %scan3A_3 to %scan3A_5 step %scan3A_6  : i32 {
      "tpu.region"() ({
        %run_scoped3A_40 = tpu.sem_alloc : memref<!tpu.dma_semaphore, #tpu.memory_space<semaphore_mem>>
        %dma_start3A_41 = arith.constant 0 : i32
        %dma_start3A_42 = arith.constant 0 : i32
        %dma_start3A_43 = tpu.memref_slice %arg2[%add3A, %scan3A_14, %dma_start3A_41, %dma_start3A_42] : memref<32x5x25x80xi32, #tpu.memory_space<hbm>> -> memref<1x1x25x80xi32, #tpu.memory_space<hbm>>
        %dma_start3A_44 = tpu.memref_squeeze %dma_start3A_43 : memref<1x1x25x80xi32, #tpu.memory_space<hbm>> -> memref<25x80xi32, #tpu.memory_space<hbm>>
        %dma_start3A_45 = arith.constant 0 : i32
        %dma_start3A_46 = arith.constant 0 : i32
        %dma_start3A_47 = tpu.memref_slice %arg2[%add3A, %scan3A_14, %dma_start3A_45, %dma_start3A_46] : memref<32x5x25x80xi32, #tpu.memory_space<hbm>> -> memref<1x1x25x80xi32, #tpu.memory_space<hbm>>
        %dma_start3A_48 = tpu.memref_squeeze %dma_start3A_47 : memref<1x1x25x80xi32, #tpu.memory_space<hbm>> -> memref<25x80xi32, #tpu.memory_space<hbm>>
        tpu.enqueue_dma source(%dma_start3A_48 : memref<25x80xi32, #tpu.memory_space<hbm>>) target(%arg7 : memref<25x80xi32, #tpu.memory_space<vmem>>) target_semaphore(%run_scoped3A_40 : memref<!tpu.dma_semaphore, #tpu.memory_space<semaphore_mem>>)
        %dma_wait3A_49 = arith.constant 0 : i32
        %dma_wait3A_50 = arith.constant 0 : i32
        %dma_wait3A_51 = tpu.memref_slice %arg2[%add3A, %scan3A_14, %dma_wait3A_49, %dma_wait3A_50] : memref<32x5x25x80xi32, #tpu.memory_space<hbm>> -> memref<1x1x25x80xi32, #tpu.memory_space<hbm>>
        %dma_wait3A_52 = tpu.memref_squeeze %dma_wait3A_51 : memref<1x1x25x80xi32, #tpu.memory_space<hbm>> -> memref<25x80xi32, #tpu.memory_space<hbm>>
        %dma_wait3A_53 = arith.constant 0 : i32
        %dma_wait3A_54 = arith.constant 0 : i32
        %dma_wait3A_55 = tpu.memref_slice %arg2[%add3A, %scan3A_14, %dma_wait3A_53, %dma_wait3A_54] : memref<32x5x25x80xi32, #tpu.memory_space<hbm>> -> memref<1x1x25x80xi32, #tpu.memory_space<hbm>>
        %dma_wait3A_56 = tpu.memref_squeeze %dma_wait3A_55 : memref<1x1x25x80xi32, #tpu.memory_space<hbm>> -> memref<25x80xi32, #tpu.memory_space<hbm>>
        tpu.wait_dma2 semaphore(%run_scoped3A_40 : memref<!tpu.dma_semaphore, #tpu.memory_space<semaphore_mem>>) src(%dma_wait3A_56 : memref<25x80xi32, #tpu.memory_space<hbm>>) dst(%arg7 : memref<25x80xi32, #tpu.memory_space<vmem>>)
        tpu.yield
      }) : () -> ()
      "tpu.region"() ({
        %run_scoped3A_40 = tpu.sem_alloc : memref<!tpu.dma_semaphore, #tpu.memory_space<semaphore_mem>>
        %dma_start3A_41 = arith.constant 0 : i32
        %dma_start3A_42 = arith.constant 0 : i32
        %dma_start3A_43 = tpu.memref_slice %arg3[%add3A, %scan3A_14, %dma_start3A_41, %dma_start3A_42] : memref<32x5x25x80xi32, #tpu.memory_space<hbm>> -> memref<1x1x25x80xi32, #tpu.memory_space<hbm>>
        %dma_start3A_44 = tpu.memref_squeeze %dma_start3A_43 : memref<1x1x25x80xi32, #tpu.memory_space<hbm>> -> memref<25x80xi32, #tpu.memory_space<hbm>>
        %dma_start3A_45 = arith.constant 0 : i32
        %dma_start3A_46 = arith.constant 0 : i32
        %dma_start3A_47 = tpu.memref_slice %arg3[%add3A, %scan3A_14, %dma_start3A_45, %dma_start3A_46] : memref<32x5x25x80xi32, #tpu.memory_space<hbm>> -> memref<1x1x25x80xi32, #tpu.memory_space<hbm>>
        %dma_start3A_48 = tpu.memref_squeeze %dma_start3A_47 : memref<1x1x25x80xi32, #tpu.memory_space<hbm>> -> memref<25x80xi32, #tpu.memory_space<hbm>>
        tpu.enqueue_dma source(%dma_start3A_48 : memref<25x80xi32, #tpu.memory_space<hbm>>) target(%arg8 : memref<25x80xi32, #tpu.memory_space<vmem>>) target_semaphore(%run_scoped3A_40 : memref<!tpu.dma_semaphore, #tpu.memory_space<semaphore_mem>>)
        %dma_wait3A_49 = arith.constant 0 : i32
        %dma_wait3A_50 = arith.constant 0 : i32
        %dma_wait3A_51 = tpu.memref_slice %arg3[%add3A, %scan3A_14, %dma_wait3A_49, %dma_wait3A_50] : memref<32x5x25x80xi32, #tpu.memory_space<hbm>> -> memref<1x1x25x80xi32, #tpu.memory_space<hbm>>
        %dma_wait3A_52 = tpu.memref_squeeze %dma_wait3A_51 : memref<1x1x25x80xi32, #tpu.memory_space<hbm>> -> memref<25x80xi32, #tpu.memory_space<hbm>>
        %dma_wait3A_53 = arith.constant 0 : i32
        %dma_wait3A_54 = arith.constant 0 : i32
        %dma_wait3A_55 = tpu.memref_slice %arg3[%add3A, %scan3A_14, %dma_wait3A_53, %dma_wait3A_54] : memref<32x5x25x80xi32, #tpu.memory_space<hbm>> -> memref<1x1x25x80xi32, #tpu.memory_space<hbm>>
        %dma_wait3A_56 = tpu.memref_squeeze %dma_wait3A_55 : memref<1x1x25x80xi32, #tpu.memory_space<hbm>> -> memref<25x80xi32, #tpu.memory_space<hbm>>
        tpu.wait_dma2 semaphore(%run_scoped3A_40 : memref<!tpu.dma_semaphore, #tpu.memory_space<semaphore_mem>>) src(%dma_wait3A_56 : memref<25x80xi32, #tpu.memory_space<hbm>>) dst(%arg8 : memref<25x80xi32, #tpu.memory_space<vmem>>)
        tpu.yield
      }) : () -> ()
      %dma_start3A = arith.constant 0 : i32
      %dma_start3A_15 = arith.constant 0 : i32
      %dma_start3A_16 = tpu.memref_slice %arg8[%dma_start3A, %dma_start3A_15] : memref<25x80xi32, #tpu.memory_space<vmem>> -> memref<1x80xi32, #tpu.memory_space<vmem>>
      %dma_start3A_17 = tpu.memref_squeeze %dma_start3A_16 : memref<1x80xi32, #tpu.memory_space<vmem>> -> memref<80xi32, #tpu.memory_space<vmem>>
      %dma_start3A_18 = arith.constant 0 : i32
      %dma_start3A_19 = arith.constant 0 : i32
      %dma_start3A_20 = tpu.memref_slice %arg4[%dma_start3A_18, %dma_start3A_19] : memref<10000x128xf32, #tpu.memory_space<hbm>> -> memref<10000x128xf32, #tpu.memory_space<hbm>>
      tpu.enqueue_indirect_dma source(%dma_start3A_20 : memref<10000x128xf32, #tpu.memory_space<hbm>>) target(%arg9 : memref<80x128xf32, #tpu.memory_space<vmem>>) offsets(%dma_start3A_17 : memref<80xi32, #tpu.memory_space<vmem>>) semaphore(%arg12 : memref<!tpu.dma_semaphore, #tpu.memory_space<semaphore_mem>>)
      %dma_start3A_21 = arith.constant 1 : i32
      %dma_start3A_22 = arith.constant 0 : i32
      %dma_start3A_23 = tpu.memref_slice %arg8[%dma_start3A_21, %dma_start3A_22] : memref<25x80xi32, #tpu.memory_space<vmem>> -> memref<1x80xi32, #tpu.memory_space<vmem>>
      %dma_start3A_24 = tpu.memref_squeeze %dma_start3A_23 : memref<1x80xi32, #tpu.memory_space<vmem>> -> memref<80xi32, #tpu.memory_space<vmem>>
      %dma_start3A_25 = arith.constant 0 : i32
      %dma_start3A_26 = arith.constant 0 : i32
      %dma_start3A_27 = tpu.memref_slice %arg4[%dma_start3A_25, %dma_start3A_26] : memref<10000x128xf32, #tpu.memory_space<hbm>> -> memref<10000x128xf32, #tpu.memory_space<hbm>>
      tpu.enqueue_indirect_dma source(%dma_start3A_27 : memref<10000x128xf32, #tpu.memory_space<hbm>>) target(%arg10 : memref<80x128xf32, #tpu.memory_space<vmem>>) offsets(%dma_start3A_24 : memref<80xi32, #tpu.memory_space<vmem>>) semaphore(%arg13 : memref<!tpu.dma_semaphore, #tpu.memory_space<semaphore_mem>>)
      %scan3A_28 = arith.constant 0 : i32
      %scan3A_29 = arith.constant 0 : i32
      %scan3A_30 = arith.constant 12 : i32
      %scan3A_31 = arith.addi %scan3A_29, %scan3A_30 : i32
      %scan3A_32 = arith.constant 1 : i32
      scf.for %scan3A_40 = %scan3A_29 to %scan3A_31 step %scan3A_32  : i32 {
        %mul3A_41 = arith.constant 2 : i32
        %mul3A_42 = arith.muli %mul3A_41, %scan3A_40 : i32
        %add3A_43 = arith.constant 1 : i32
        %add3A_44 = arith.addi %mul3A_42, %add3A_43 : i32
        %dma_wait3A_45 = arith.constant 0 : i32
        %dma_wait3A_46 = tpu.memref_slice %arg8[%mul3A_42, %dma_wait3A_45] : memref<25x80xi32, #tpu.memory_space<vmem>> -> memref<1x80xi32, #tpu.memory_space<vmem>>
        %dma_wait3A_47 = tpu.memref_squeeze %dma_wait3A_46 : memref<1x80xi32, #tpu.memory_space<vmem>> -> memref<80xi32, #tpu.memory_space<vmem>>
        %dma_wait3A_48 = arith.constant 0 : i32
        %dma_wait3A_49 = arith.constant 0 : i32
        %dma_wait3A_50 = tpu.memref_slice %arg4[%dma_wait3A_48, %dma_wait3A_49] : memref<10000x128xf32, #tpu.memory_space<hbm>> -> memref<10000x128xf32, #tpu.memory_space<hbm>>
        tpu.wait_indirect_dma semaphore(%arg12 : memref<!tpu.dma_semaphore, #tpu.memory_space<semaphore_mem>>) src(%dma_wait3A_50 : memref<10000x128xf32, #tpu.memory_space<hbm>>) dst(%arg9 : memref<80x128xf32, #tpu.memory_space<vmem>>)
        "tpu.region"() ({
          %run_scoped3A_71 = tpu.sem_alloc : memref<!tpu.dma_semaphore, #tpu.memory_space<semaphore_mem>>
          %dma_start3A_72 = arith.constant 0 : i32
          %dma_start3A_73 = tpu.memref_slice %arg7[%mul3A_42, %dma_start3A_72] : memref<25x80xi32, #tpu.memory_space<vmem>> -> memref<1x80xi32, #tpu.memory_space<vmem>>
          %dma_start3A_74 = tpu.memref_squeeze %dma_start3A_73 : memref<1x80xi32, #tpu.memory_space<vmem>> -> memref<80xi32, #tpu.memory_space<vmem>>
          %dma_start3A_75 = arith.constant 0 : i32
          %dma_start3A_76 = arith.constant 0 : i32
          %dma_start3A_77 = tpu.memref_slice %arg11[%dma_start3A_75, %dma_start3A_76] : memref<10000x128xf32, #tpu.memory_space<vmem_shared>> -> memref<10000x128xf32, #tpu.memory_space<vmem_shared>>
          tpu.enqueue_indirect_dma source(%arg9 : memref<80x128xf32, #tpu.memory_space<vmem>>) target(%dma_start3A_77 : memref<10000x128xf32, #tpu.memory_space<vmem_shared>>) offsets(%dma_start3A_74 : memref<80xi32, #tpu.memory_space<vmem>>) semaphore(%run_scoped3A_71 : memref<!tpu.dma_semaphore, #tpu.memory_space<semaphore_mem>>) {add = true}
          %dma_wait3A_78 = arith.constant 0 : i32
          %dma_wait3A_79 = tpu.memref_slice %arg7[%mul3A_42, %dma_wait3A_78] : memref<25x80xi32, #tpu.memory_space<vmem>> -> memref<1x80xi32, #tpu.memory_space<vmem>>
          %dma_wait3A_80 = tpu.memref_squeeze %dma_wait3A_79 : memref<1x80xi32, #tpu.memory_space<vmem>> -> memref<80xi32, #tpu.memory_space<vmem>>
          %dma_wait3A_81 = arith.constant 0 : i32
          %dma_wait3A_82 = arith.constant 0 : i32
          %dma_wait3A_83 = tpu.memref_slice %arg11[%dma_wait3A_81, %dma_wait3A_82] : memref<10000x128xf32, #tpu.memory_space<vmem_shared>> -> memref<10000x128xf32, #tpu.memory_space<vmem_shared>>
          tpu.wait_indirect_dma semaphore(%run_scoped3A_71 : memref<!tpu.dma_semaphore, #tpu.memory_space<semaphore_mem>>) src(%arg9 : memref<80x128xf32, #tpu.memory_space<vmem>>) dst(%dma_wait3A_83 : memref<10000x128xf32, #tpu.memory_space<vmem_shared>>)
          tpu.yield
        }) : () -> ()
        %add3A_51 = arith.constant 2 : i32
        %add3A_52 = arith.addi %mul3A_42, %add3A_51 : i32
        %lt3A_53 = arith.constant 25 : i32
        %lt3A_54 = arith.cmpi slt, %add3A_52, %lt3A_53 : i32
        %convert_element_type3A_55 = arith.extui %lt3A_54 : i1 to i32
        %cond3A_56 = arith.constant 0 : i32
        %cond3A_57 = arith.cmpi ne, %convert_element_type3A_55, %cond3A_56 : i32
        scf.if %cond3A_57 {
          %add3A_71 = arith.constant 2 : i32
          %add3A_72 = arith.addi %mul3A_42, %add3A_71 : i32
          %dma_start3A_73 = arith.constant 0 : i32
          %dma_start3A_74 = tpu.memref_slice %arg8[%add3A_72, %dma_start3A_73] : memref<25x80xi32, #tpu.memory_space<vmem>> -> memref<1x80xi32, #tpu.memory_space<vmem>>
          %dma_start3A_75 = tpu.memref_squeeze %dma_start3A_74 : memref<1x80xi32, #tpu.memory_space<vmem>> -> memref<80xi32, #tpu.memory_space<vmem>>
          %dma_start3A_76 = arith.constant 0 : i32
          %dma_start3A_77 = arith.constant 0 : i32
          %dma_start3A_78 = tpu.memref_slice %arg4[%dma_start3A_76, %dma_start3A_77] : memref<10000x128xf32, #tpu.memory_space<hbm>> -> memref<10000x128xf32, #tpu.memory_space<hbm>>
          tpu.enqueue_indirect_dma source(%dma_start3A_78 : memref<10000x128xf32, #tpu.memory_space<hbm>>) target(%arg9 : memref<80x128xf32, #tpu.memory_space<vmem>>) offsets(%dma_start3A_75 : memref<80xi32, #tpu.memory_space<vmem>>) semaphore(%arg12 : memref<!tpu.dma_semaphore, #tpu.memory_space<semaphore_mem>>)
        } else {
        }
        %dma_wait3A_58 = arith.constant 0 : i32
        %dma_wait3A_59 = tpu.memref_slice %arg8[%add3A_44, %dma_wait3A_58] : memref<25x80xi32, #tpu.memory_space<vmem>> -> memref<1x80xi32, #tpu.memory_space<vmem>>
        %dma_wait3A_60 = tpu.memref_squeeze %dma_wait3A_59 : memref<1x80xi32, #tpu.memory_space<vmem>> -> memref<80xi32, #tpu.memory_space<vmem>>
        %dma_wait3A_61 = arith.constant 0 : i32
        %dma_wait3A_62 = arith.constant 0 : i32
        %dma_wait3A_63 = tpu.memref_slice %arg4[%dma_wait3A_61, %dma_wait3A_62] : memref<10000x128xf32, #tpu.memory_space<hbm>> -> memref<10000x128xf32, #tpu.memory_space<hbm>>
        tpu.wait_indirect_dma semaphore(%arg13 : memref<!tpu.dma_semaphore, #tpu.memory_space<semaphore_mem>>) src(%dma_wait3A_63 : memref<10000x128xf32, #tpu.memory_space<hbm>>) dst(%arg10 : memref<80x128xf32, #tpu.memory_space<vmem>>)
        "tpu.region"() ({
          %run_scoped3A_71 = tpu.sem_alloc : memref<!tpu.dma_semaphore, #tpu.memory_space<semaphore_mem>>
          %dma_start3A_72 = arith.constant 0 : i32
          %dma_start3A_73 = tpu.memref_slice %arg7[%add3A_44, %dma_start3A_72] : memref<25x80xi32, #tpu.memory_space<vmem>> -> memref<1x80xi32, #tpu.memory_space<vmem>>
          %dma_start3A_74 = tpu.memref_squeeze %dma_start3A_73 : memref<1x80xi32, #tpu.memory_space<vmem>> -> memref<80xi32, #tpu.memory_space<vmem>>
          %dma_start3A_75 = arith.constant 0 : i32
          %dma_start3A_76 = arith.constant 0 : i32
          %dma_start3A_77 = tpu.memref_slice %arg11[%dma_start3A_75, %dma_start3A_76] : memref<10000x128xf32, #tpu.memory_space<vmem_shared>> -> memref<10000x128xf32, #tpu.memory_space<vmem_shared>>
          tpu.enqueue_indirect_dma source(%arg10 : memref<80x128xf32, #tpu.memory_space<vmem>>) target(%dma_start3A_77 : memref<10000x128xf32, #tpu.memory_space<vmem_shared>>) offsets(%dma_start3A_74 : memref<80xi32, #tpu.memory_space<vmem>>) semaphore(%run_scoped3A_71 : memref<!tpu.dma_semaphore, #tpu.memory_space<semaphore_mem>>) {add = true}
          %dma_wait3A_78 = arith.constant 0 : i32
          %dma_wait3A_79 = tpu.memref_slice %arg7[%add3A_44, %dma_wait3A_78] : memref<25x80xi32, #tpu.memory_space<vmem>> -> memref<1x80xi32, #tpu.memory_space<vmem>>
          %dma_wait3A_80 = tpu.memref_squeeze %dma_wait3A_79 : memref<1x80xi32, #tpu.memory_space<vmem>> -> memref<80xi32, #tpu.memory_space<vmem>>
          %dma_wait3A_81 = arith.constant 0 : i32
          %dma_wait3A_82 = arith.constant 0 : i32
          %dma_wait3A_83 = tpu.memref_slice %arg11[%dma_wait3A_81, %dma_wait3A_82] : memref<10000x128xf32, #tpu.memory_space<vmem_shared>> -> memref<10000x128xf32, #tpu.memory_space<vmem_shared>>
          tpu.wait_indirect_dma semaphore(%run_scoped3A_71 : memref<!tpu.dma_semaphore, #tpu.memory_space<semaphore_mem>>) src(%arg10 : memref<80x128xf32, #tpu.memory_space<vmem>>) dst(%dma_wait3A_83 : memref<10000x128xf32, #tpu.memory_space<vmem_shared>>)
          tpu.yield
        }) : () -> ()
        %add3A_64 = arith.constant 2 : i32
        %add3A_65 = arith.addi %add3A_44, %add3A_64 : i32
        %lt3A_66 = arith.constant 25 : i32
        %lt3A_67 = arith.cmpi slt, %add3A_65, %lt3A_66 : i32
        %convert_element_type3A_68 = arith.extui %lt3A_67 : i1 to i32
        %cond3A_69 = arith.constant 0 : i32
        %cond3A_70 = arith.cmpi ne, %convert_element_type3A_68, %cond3A_69 : i32
        scf.if %cond3A_70 {
          %add3A_71 = arith.constant 2 : i32
          %add3A_72 = arith.addi %add3A_44, %add3A_71 : i32
          %dma_start3A_73 = arith.constant 0 : i32
          %dma_start3A_74 = tpu.memref_slice %arg8[%add3A_72, %dma_start3A_73] : memref<25x80xi32, #tpu.memory_space<vmem>> -> memref<1x80xi32, #tpu.memory_space<vmem>>
          %dma_start3A_75 = tpu.memref_squeeze %dma_start3A_74 : memref<1x80xi32, #tpu.memory_space<vmem>> -> memref<80xi32, #tpu.memory_space<vmem>>
          %dma_start3A_76 = arith.constant 0 : i32
          %dma_start3A_77 = arith.constant 0 : i32
          %dma_start3A_78 = tpu.memref_slice %arg4[%dma_start3A_76, %dma_start3A_77] : memref<10000x128xf32, #tpu.memory_space<hbm>> -> memref<10000x128xf32, #tpu.memory_space<hbm>>
          tpu.enqueue_indirect_dma source(%dma_start3A_78 : memref<10000x128xf32, #tpu.memory_space<hbm>>) target(%arg10 : memref<80x128xf32, #tpu.memory_space<vmem>>) offsets(%dma_start3A_75 : memref<80xi32, #tpu.memory_space<vmem>>) semaphore(%arg13 : memref<!tpu.dma_semaphore, #tpu.memory_space<semaphore_mem>>)
        } else {
        }
      }
      %scan3A_33 = arith.constant 12 : i32
      %dma_wait3A = arith.constant 24 : i32
      %dma_wait3A_34 = arith.constant 0 : i32
      %dma_wait3A_35 = tpu.memref_slice %arg8[%dma_wait3A, %dma_wait3A_34] : memref<25x80xi32, #tpu.memory_space<vmem>> -> memref<1x80xi32, #tpu.memory_space<vmem>>
      %dma_wait3A_36 = tpu.memref_squeeze %dma_wait3A_35 : memref<1x80xi32, #tpu.memory_space<vmem>> -> memref<80xi32, #tpu.memory_space<vmem>>
      %dma_wait3A_37 = arith.constant 0 : i32
      %dma_wait3A_38 = arith.constant 0 : i32
      %dma_wait3A_39 = tpu.memref_slice %arg4[%dma_wait3A_37, %dma_wait3A_38] : memref<10000x128xf32, #tpu.memory_space<hbm>> -> memref<10000x128xf32, #tpu.memory_space<hbm>>
      tpu.wait_indirect_dma semaphore(%arg12 : memref<!tpu.dma_semaphore, #tpu.memory_space<semaphore_mem>>) src(%dma_wait3A_39 : memref<10000x128xf32, #tpu.memory_space<hbm>>) dst(%arg9 : memref<80x128xf32, #tpu.memory_space<vmem>>)
      %run_scoped3A = arith.constant 24 : i32
      "tpu.region"() ({
        %run_scoped3A_40 = tpu.sem_alloc : memref<!tpu.dma_semaphore, #tpu.memory_space<semaphore_mem>>
        %dma_start3A_41 = arith.constant 0 : i32
        %dma_start3A_42 = tpu.memref_slice %arg7[%run_scoped3A, %dma_start3A_41] : memref<25x80xi32, #tpu.memory_space<vmem>> -> memref<1x80xi32, #tpu.memory_space<vmem>>
        %dma_start3A_43 = tpu.memref_squeeze %dma_start3A_42 : memref<1x80xi32, #tpu.memory_space<vmem>> -> memref<80xi32, #tpu.memory_space<vmem>>
        %dma_start3A_44 = arith.constant 0 : i32
        %dma_start3A_45 = arith.constant 0 : i32
        %dma_start3A_46 = tpu.memref_slice %arg11[%dma_start3A_44, %dma_start3A_45] : memref<10000x128xf32, #tpu.memory_space<vmem_shared>> -> memref<10000x128xf32, #tpu.memory_space<vmem_shared>>
        tpu.enqueue_indirect_dma source(%arg9 : memref<80x128xf32, #tpu.memory_space<vmem>>) target(%dma_start3A_46 : memref<10000x128xf32, #tpu.memory_space<vmem_shared>>) offsets(%dma_start3A_43 : memref<80xi32, #tpu.memory_space<vmem>>) semaphore(%run_scoped3A_40 : memref<!tpu.dma_semaphore, #tpu.memory_space<semaphore_mem>>) {add = true}
        %dma_wait3A_47 = arith.constant 0 : i32
        %dma_wait3A_48 = tpu.memref_slice %arg7[%run_scoped3A, %dma_wait3A_47] : memref<25x80xi32, #tpu.memory_space<vmem>> -> memref<1x80xi32, #tpu.memory_space<vmem>>
        %dma_wait3A_49 = tpu.memref_squeeze %dma_wait3A_48 : memref<1x80xi32, #tpu.memory_space<vmem>> -> memref<80xi32, #tpu.memory_space<vmem>>
        %dma_wait3A_50 = arith.constant 0 : i32
        %dma_wait3A_51 = arith.constant 0 : i32
        %dma_wait3A_52 = tpu.memref_slice %arg11[%dma_wait3A_50, %dma_wait3A_51] : memref<10000x128xf32, #tpu.memory_space<vmem_shared>> -> memref<10000x128xf32, #tpu.memory_space<vmem_shared>>
        tpu.wait_indirect_dma semaphore(%run_scoped3A_40 : memref<!tpu.dma_semaphore, #tpu.memory_space<semaphore_mem>>) src(%arg9 : memref<80x128xf32, #tpu.memory_space<vmem>>) dst(%dma_wait3A_52 : memref<10000x128xf32, #tpu.memory_space<vmem_shared>>)
        tpu.yield
      }) : () -> ()
    }
    %scan3A_7 = arith.constant 5 : i32
    %barrier3A_8 = arith.constant 0 : index
    tpu.barrier barrier_id(%barrier3A_8)
    %lt3A_9 = arith.constant 10 : i32
    %lt3A_10 = arith.cmpi slt, %arg1, %lt3A_9 : i32
    %convert_element_type3A_11 = arith.extui %lt3A_10 : i1 to i32
    %cond3A_12 = arith.constant 0 : i32
    %cond3A_13 = arith.cmpi ne, %convert_element_type3A_11, %cond3A_12 : i32
    scf.if %cond3A_13 {
      %mul3A_14 = arith.constant 1000 : i32
      %mul3A_15 = arith.muli %arg1, %mul3A_14 : i32
      %mul3A_16 = arith.constant 1000 : i32
      %mul3A_17 = arith.muli %arg1, %mul3A_16 : i32
      "tpu.region"() ({
        %run_scoped3A = tpu.sem_alloc : memref<!tpu.dma_semaphore, #tpu.memory_space<semaphore_mem>>
        %dma_start3A = arith.constant 0 : i32
        %dma_start3A_18 = tpu.memref_slice %arg6[%arg0, %mul3A_17, %dma_start3A] : memref<2x10000x128xf32, #tpu.memory_space<hbm>> -> memref<1x1000x128xf32, #tpu.memory_space<hbm>>
        %dma_start3A_19 = tpu.memref_squeeze %dma_start3A_18 : memref<1x1000x128xf32, #tpu.memory_space<hbm>> -> memref<1000x128xf32, #tpu.memory_space<hbm>>
        %dma_start3A_20 = arith.constant 0 : i32
        %dma_start3A_21 = tpu.memref_slice %arg11[%mul3A_15, %dma_start3A_20] : memref<10000x128xf32, #tpu.memory_space<vmem_shared>> -> memref<1000x128xf32, #tpu.memory_space<vmem_shared>>
        tpu.enqueue_dma source(%dma_start3A_21 : memref<1000x128xf32, #tpu.memory_space<vmem_shared>>) target(%dma_start3A_19 : memref<1000x128xf32, #tpu.memory_space<hbm>>) target_semaphore(%run_scoped3A : memref<!tpu.dma_semaphore, #tpu.memory_space<semaphore_mem>>)
        %dma_wait3A = arith.constant 0 : i32
        %dma_wait3A_22 = tpu.memref_slice %arg6[%arg0, %mul3A_17, %dma_wait3A] : memref<2x10000x128xf32, #tpu.memory_space<hbm>> -> memref<1x1000x128xf32, #tpu.memory_space<hbm>>
        %dma_wait3A_23 = tpu.memref_squeeze %dma_wait3A_22 : memref<1x1000x128xf32, #tpu.memory_space<hbm>> -> memref<1000x128xf32, #tpu.memory_space<hbm>>
        %dma_wait3A_24 = arith.constant 0 : i32
        %dma_wait3A_25 = tpu.memref_slice %arg11[%mul3A_15, %dma_wait3A_24] : memref<10000x128xf32, #tpu.memory_space<vmem_shared>> -> memref<1000x128xf32, #tpu.memory_space<vmem_shared>>
        tpu.wait_dma2 semaphore(%run_scoped3A : memref<!tpu.dma_semaphore, #tpu.memory_space<semaphore_mem>>) src(%dma_wait3A_25 : memref<1000x128xf32, #tpu.memory_space<vmem_shared>>) dst(%dma_wait3A_23 : memref<1000x128xf32, #tpu.memory_space<hbm>>)
        tpu.yield
      }) : () -> ()
    } else {
    }
    return
  }
}

#map = affine_map<(d0, d1) -> (0, 0, 0)>
#map1 = affine_map<(d0, d1) -> (0, 0)>
module attributes {stable_mosaic.version = 14 : i64} {
  func.func @k(%arg0: i32, %arg1: i32, %arg2: memref<32x125x80xi32, #tpu.memory_space<hbm>>, %arg3: memref<80x128xf32, #tpu.memory_space<hbm>>, %arg4: memref<10000x128xf32, #tpu.memory_space<hbm>>, %arg5: memref<2x10000x128xf32, #tpu.memory_space<hbm>>, %arg6: memref<125x80xi32, #tpu.memory_space<vmem>>, %arg7: memref<80x128xf32, #tpu.memory_space<vmem>>, %arg8: memref<10000x128xf32, #tpu.memory_space<vmem_shared>>, %arg9: memref<!tpu.dma_semaphore, #tpu.memory_space<semaphore_mem>>) attributes {dimension_semantics = [#tpu.dimension_semantics<core_parallel>, #tpu.dimension_semantics<subcore_parallel>], iteration_bounds = array<i64: 2, 16>, scalar_prefetch = 0 : i64, scratch_operands = 4 : i64, tpu.core_type = #tpu.core_type<sc_vector_subcore>, window_params = [{transform_indices = #map}, {transform_indices = #map1}, {transform_indices = #map1}, {transform_indices = #map}]} {
    %mul3A = arith.constant 16 : i32
    %mul3A_0 = arith.muli %arg0, %mul3A : i32
    %add3A = arith.addi %mul3A_0, %arg1 : i32
    "tpu.region"() ({
      %run_scoped3A = tpu.sem_alloc : memref<!tpu.dma_semaphore, #tpu.memory_space<semaphore_mem>>
      %dma_start3A = arith.constant 0 : i32
      %dma_start3A_14 = arith.constant 0 : i32
      %dma_start3A_15 = tpu.memref_slice %arg2[%add3A, %dma_start3A, %dma_start3A_14] : memref<32x125x80xi32, #tpu.memory_space<hbm>> -> memref<1x125x80xi32, #tpu.memory_space<hbm>>
      %dma_start3A_16 = tpu.memref_squeeze %dma_start3A_15 : memref<1x125x80xi32, #tpu.memory_space<hbm>> -> memref<125x80xi32, #tpu.memory_space<hbm>>
      %dma_start3A_17 = arith.constant 0 : i32
      %dma_start3A_18 = arith.constant 0 : i32
      %dma_start3A_19 = tpu.memref_slice %arg2[%add3A, %dma_start3A_17, %dma_start3A_18] : memref<32x125x80xi32, #tpu.memory_space<hbm>> -> memref<1x125x80xi32, #tpu.memory_space<hbm>>
      %dma_start3A_20 = tpu.memref_squeeze %dma_start3A_19 : memref<1x125x80xi32, #tpu.memory_space<hbm>> -> memref<125x80xi32, #tpu.memory_space<hbm>>
      tpu.enqueue_dma source(%dma_start3A_20 : memref<125x80xi32, #tpu.memory_space<hbm>>) target(%arg6 : memref<125x80xi32, #tpu.memory_space<vmem>>) target_semaphore(%run_scoped3A : memref<!tpu.dma_semaphore, #tpu.memory_space<semaphore_mem>>)
      %dma_wait3A = arith.constant 0 : i32
      %dma_wait3A_21 = arith.constant 0 : i32
      %dma_wait3A_22 = tpu.memref_slice %arg2[%add3A, %dma_wait3A, %dma_wait3A_21] : memref<32x125x80xi32, #tpu.memory_space<hbm>> -> memref<1x125x80xi32, #tpu.memory_space<hbm>>
      %dma_wait3A_23 = tpu.memref_squeeze %dma_wait3A_22 : memref<1x125x80xi32, #tpu.memory_space<hbm>> -> memref<125x80xi32, #tpu.memory_space<hbm>>
      %dma_wait3A_24 = arith.constant 0 : i32
      %dma_wait3A_25 = arith.constant 0 : i32
      %dma_wait3A_26 = tpu.memref_slice %arg2[%add3A, %dma_wait3A_24, %dma_wait3A_25] : memref<32x125x80xi32, #tpu.memory_space<hbm>> -> memref<1x125x80xi32, #tpu.memory_space<hbm>>
      %dma_wait3A_27 = tpu.memref_squeeze %dma_wait3A_26 : memref<1x125x80xi32, #tpu.memory_space<hbm>> -> memref<125x80xi32, #tpu.memory_space<hbm>>
      tpu.wait_dma2 semaphore(%run_scoped3A : memref<!tpu.dma_semaphore, #tpu.memory_space<semaphore_mem>>) src(%dma_wait3A_27 : memref<125x80xi32, #tpu.memory_space<hbm>>) dst(%arg6 : memref<125x80xi32, #tpu.memory_space<vmem>>)
      tpu.yield
    }) : () -> ()
    "tpu.region"() ({
      %run_scoped3A = tpu.sem_alloc : memref<!tpu.dma_semaphore, #tpu.memory_space<semaphore_mem>>
      tpu.enqueue_dma source(%arg3 : memref<80x128xf32, #tpu.memory_space<hbm>>) target(%arg7 : memref<80x128xf32, #tpu.memory_space<vmem>>) target_semaphore(%run_scoped3A : memref<!tpu.dma_semaphore, #tpu.memory_space<semaphore_mem>>)
      tpu.wait_dma2 semaphore(%run_scoped3A : memref<!tpu.dma_semaphore, #tpu.memory_space<semaphore_mem>>) src(%arg3 : memref<80x128xf32, #tpu.memory_space<hbm>>) dst(%arg7 : memref<80x128xf32, #tpu.memory_space<vmem>>)
      tpu.yield
    }) : () -> ()
    %lt3A = arith.constant 10 : i32
    %lt3A_1 = arith.cmpi slt, %arg1, %lt3A : i32
    %convert_element_type3A = arith.extui %lt3A_1 : i1 to i32
    %cond3A = arith.constant 0 : i32
    %cond3A_2 = arith.cmpi ne, %convert_element_type3A, %cond3A : i32
    scf.if %cond3A_2 {
      %mul3A_14 = arith.constant 1000 : i32
      %mul3A_15 = arith.muli %arg1, %mul3A_14 : i32
      %mul3A_16 = arith.constant 1000 : i32
      %mul3A_17 = arith.muli %arg1, %mul3A_16 : i32
      "tpu.region"() ({
        %run_scoped3A = tpu.sem_alloc : memref<!tpu.dma_semaphore, #tpu.memory_space<semaphore_mem>>
        %dma_start3A = arith.constant 0 : i32
        %dma_start3A_18 = tpu.memref_slice %arg8[%mul3A_17, %dma_start3A] : memref<10000x128xf32, #tpu.memory_space<vmem_shared>> -> memref<1000x128xf32, #tpu.memory_space<vmem_shared>>
        %dma_start3A_19 = arith.constant 0 : i32
        %dma_start3A_20 = tpu.memref_slice %arg4[%mul3A_15, %dma_start3A_19] : memref<10000x128xf32, #tpu.memory_space<hbm>> -> memref<1000x128xf32, #tpu.memory_space<hbm>>
        tpu.enqueue_dma source(%dma_start3A_20 : memref<1000x128xf32, #tpu.memory_space<hbm>>) target(%dma_start3A_18 : memref<1000x128xf32, #tpu.memory_space<vmem_shared>>) target_semaphore(%run_scoped3A : memref<!tpu.dma_semaphore, #tpu.memory_space<semaphore_mem>>)
        %dma_wait3A = arith.constant 0 : i32
        %dma_wait3A_21 = tpu.memref_slice %arg8[%mul3A_17, %dma_wait3A] : memref<10000x128xf32, #tpu.memory_space<vmem_shared>> -> memref<1000x128xf32, #tpu.memory_space<vmem_shared>>
        %dma_wait3A_22 = arith.constant 0 : i32
        %dma_wait3A_23 = tpu.memref_slice %arg4[%mul3A_15, %dma_wait3A_22] : memref<10000x128xf32, #tpu.memory_space<hbm>> -> memref<1000x128xf32, #tpu.memory_space<hbm>>
        tpu.wait_dma2 semaphore(%run_scoped3A : memref<!tpu.dma_semaphore, #tpu.memory_space<semaphore_mem>>) src(%dma_wait3A_23 : memref<1000x128xf32, #tpu.memory_space<hbm>>) dst(%dma_wait3A_21 : memref<1000x128xf32, #tpu.memory_space<vmem_shared>>)
        tpu.yield
      }) : () -> ()
    } else {
    }
    %barrier3A = arith.constant 0 : index
    tpu.barrier barrier_id(%barrier3A)
    %scan3A = arith.constant 0 : i32
    %scan3A_3 = arith.constant 0 : i32
    %scan3A_4 = arith.constant 5 : i32
    %scan3A_5 = arith.addi %scan3A_3, %scan3A_4 : i32
    %scan3A_6 = arith.constant 1 : i32
    scf.for %scan3A_14 = %scan3A_3 to %scan3A_5 step %scan3A_6  : i32 {
      %scan3A_15 = arith.constant 0 : i32
      %scan3A_16 = arith.constant 0 : i32
      %scan3A_17 = arith.constant 25 : i32
      %scan3A_18 = arith.addi %scan3A_16, %scan3A_17 : i32
      %scan3A_19 = arith.constant 1 : i32
      scf.for %scan3A_27 = %scan3A_16 to %scan3A_18 step %scan3A_19  : i32 {
        %mul3A_28 = arith.constant 25 : i32
        %mul3A_29 = arith.muli %scan3A_14, %mul3A_28 : i32
        %add3A_30 = arith.addi %mul3A_29, %scan3A_27 : i32
        %dma_start3A = arith.constant 0 : i32
        %dma_start3A_31 = tpu.memref_slice %arg6[%add3A_30, %dma_start3A] : memref<125x80xi32, #tpu.memory_space<vmem>> -> memref<1x80xi32, #tpu.memory_space<vmem>>
        %dma_start3A_32 = tpu.memref_squeeze %dma_start3A_31 : memref<1x80xi32, #tpu.memory_space<vmem>> -> memref<80xi32, #tpu.memory_space<vmem>>
        %dma_start3A_33 = arith.constant 0 : i32
        %dma_start3A_34 = arith.constant 0 : i32
        %dma_start3A_35 = tpu.memref_slice %arg8[%dma_start3A_33, %dma_start3A_34] : memref<10000x128xf32, #tpu.memory_space<vmem_shared>> -> memref<10000x128xf32, #tpu.memory_space<vmem_shared>>
        tpu.enqueue_indirect_dma source(%arg7 : memref<80x128xf32, #tpu.memory_space<vmem>>) target(%dma_start3A_35 : memref<10000x128xf32, #tpu.memory_space<vmem_shared>>) offsets(%dma_start3A_32 : memref<80xi32, #tpu.memory_space<vmem>>) semaphore(%arg9 : memref<!tpu.dma_semaphore, #tpu.memory_space<semaphore_mem>>) {add = true}
      }
      %scan3A_20 = arith.constant 25 : i32
      %scan3A_21 = arith.constant 0 : i32
      %scan3A_22 = arith.constant 0 : i32
      %scan3A_23 = arith.constant 25 : i32
      %scan3A_24 = arith.addi %scan3A_22, %scan3A_23 : i32
      %scan3A_25 = arith.constant 1 : i32
      scf.for %scan3A_27 = %scan3A_22 to %scan3A_24 step %scan3A_25  : i32 {
        %mul3A_28 = arith.constant 25 : i32
        %mul3A_29 = arith.muli %scan3A_14, %mul3A_28 : i32
        %add3A_30 = arith.addi %mul3A_29, %scan3A_27 : i32
        %dma_wait3A = arith.constant 0 : i32
        %dma_wait3A_31 = tpu.memref_slice %arg6[%add3A_30, %dma_wait3A] : memref<125x80xi32, #tpu.memory_space<vmem>> -> memref<1x80xi32, #tpu.memory_space<vmem>>
        %dma_wait3A_32 = tpu.memref_squeeze %dma_wait3A_31 : memref<1x80xi32, #tpu.memory_space<vmem>> -> memref<80xi32, #tpu.memory_space<vmem>>
        %dma_wait3A_33 = arith.constant 0 : i32
        %dma_wait3A_34 = arith.constant 0 : i32
        %dma_wait3A_35 = tpu.memref_slice %arg8[%dma_wait3A_33, %dma_wait3A_34] : memref<10000x128xf32, #tpu.memory_space<vmem_shared>> -> memref<10000x128xf32, #tpu.memory_space<vmem_shared>>
        tpu.wait_indirect_dma semaphore(%arg9 : memref<!tpu.dma_semaphore, #tpu.memory_space<semaphore_mem>>) src(%arg7 : memref<80x128xf32, #tpu.memory_space<vmem>>) dst(%dma_wait3A_35 : memref<10000x128xf32, #tpu.memory_space<vmem_shared>>)
      }
      %scan3A_26 = arith.constant 25 : i32
    }
    %scan3A_7 = arith.constant 5 : i32
    %barrier3A_8 = arith.constant 0 : index
    tpu.barrier barrier_id(%barrier3A_8)
    %lt3A_9 = arith.constant 10 : i32
    %lt3A_10 = arith.cmpi slt, %arg1, %lt3A_9 : i32
    %convert_element_type3A_11 = arith.extui %lt3A_10 : i1 to i32
    %cond3A_12 = arith.constant 0 : i32
    %cond3A_13 = arith.cmpi ne, %convert_element_type3A_11, %cond3A_12 : i32
    scf.if %cond3A_13 {
      %mul3A_14 = arith.constant 1000 : i32
      %mul3A_15 = arith.muli %arg1, %mul3A_14 : i32
      %mul3A_16 = arith.constant 1000 : i32
      %mul3A_17 = arith.muli %arg1, %mul3A_16 : i32
      "tpu.region"() ({
        %run_scoped3A = tpu.sem_alloc : memref<!tpu.dma_semaphore, #tpu.memory_space<semaphore_mem>>
        %dma_start3A = arith.constant 0 : i32
        %dma_start3A_18 = tpu.memref_slice %arg5[%arg0, %mul3A_17, %dma_start3A] : memref<2x10000x128xf32, #tpu.memory_space<hbm>> -> memref<1x1000x128xf32, #tpu.memory_space<hbm>>
        %dma_start3A_19 = tpu.memref_squeeze %dma_start3A_18 : memref<1x1000x128xf32, #tpu.memory_space<hbm>> -> memref<1000x128xf32, #tpu.memory_space<hbm>>
        %dma_start3A_20 = arith.constant 0 : i32
        %dma_start3A_21 = tpu.memref_slice %arg8[%mul3A_15, %dma_start3A_20] : memref<10000x128xf32, #tpu.memory_space<vmem_shared>> -> memref<1000x128xf32, #tpu.memory_space<vmem_shared>>
        tpu.enqueue_dma source(%dma_start3A_21 : memref<1000x128xf32, #tpu.memory_space<vmem_shared>>) target(%dma_start3A_19 : memref<1000x128xf32, #tpu.memory_space<hbm>>) target_semaphore(%run_scoped3A : memref<!tpu.dma_semaphore, #tpu.memory_space<semaphore_mem>>)
        %dma_wait3A = arith.constant 0 : i32
        %dma_wait3A_22 = tpu.memref_slice %arg5[%arg0, %mul3A_17, %dma_wait3A] : memref<2x10000x128xf32, #tpu.memory_space<hbm>> -> memref<1x1000x128xf32, #tpu.memory_space<hbm>>
        %dma_wait3A_23 = tpu.memref_squeeze %dma_wait3A_22 : memref<1x1000x128xf32, #tpu.memory_space<hbm>> -> memref<1000x128xf32, #tpu.memory_space<hbm>>
        %dma_wait3A_24 = arith.constant 0 : i32
        %dma_wait3A_25 = tpu.memref_slice %arg8[%mul3A_15, %dma_wait3A_24] : memref<10000x128xf32, #tpu.memory_space<vmem_shared>> -> memref<1000x128xf32, #tpu.memory_space<vmem_shared>>
        tpu.wait_dma2 semaphore(%run_scoped3A : memref<!tpu.dma_semaphore, #tpu.memory_space<semaphore_mem>>) src(%dma_wait3A_25 : memref<1000x128xf32, #tpu.memory_space<vmem_shared>>) dst(%dma_wait3A_23 : memref<1000x128xf32, #tpu.memory_space<hbm>>)
        tpu.yield
      }) : () -> ()
    } else {
    }
    return
  }
}

module attributes {stable_mosaic.version = 14 : i64} {
  func.func @body(%arg0: i32, %arg1: memref<2000x128xf32, #tpu.memory_space<vmem>>, %arg2: memref<2x2000x128xf32, #tpu.memory_space<vmem>>, %arg3: memref<128x128xf32, #tpu.memory_space<vmem>>, %arg4: memref<1024x128xf32, #tpu.memory_space<vmem>>, %arg5: memref<1024x128xf32, #tpu.memory_space<vmem>>, %arg6: memref<1x1xf32, #tpu.memory_space<smem>>, %arg7: memref<2000x1xf32, #tpu.memory_space<vmem>>, %arg8: memref<2000x128xf32, #tpu.memory_space<vmem>>, %arg9: memref<2000x128xf32, #tpu.memory_space<vmem>>) attributes {dimension_semantics = [#tpu.dimension_semantics<arbitrary>], iteration_bounds = array<i64: 5>, scalar_prefetch = 0 : i64, scratch_operands = 0 : i64, tpu.core_type = #tpu.core_type<tc>, window_params = [{transform_indices = @transform_0, window_bounds = array<i64: 2000, 128>}, {transform_indices = @transform_1, window_bounds = array<i64: 2, 2000, 128>}, {pipeline_mode = #tpu.pipeline_mode<synchronous>, transform_indices = @transform_2, window_bounds = array<i64: 128, 128>}, {pipeline_mode = #tpu.pipeline_mode<synchronous>, transform_indices = @transform_3, window_bounds = array<i64: 1024, 128>}, {pipeline_mode = #tpu.pipeline_mode<synchronous>, transform_indices = @transform_4, window_bounds = array<i64: 1024, 128>}, {transform_indices = @transform_5, window_bounds = array<i64: 1, 1>}, {transform_indices = @transform_6, window_bounds = array<i64: 2000, 1>}, {transform_indices = @transform_7, window_bounds = array<i64: 2000, 128>}, {transform_indices = @transform_8, window_bounds = array<i64: 2000, 128>}]} {
    %get3A = arith.constant 0 : index
    %get3A_0 = arith.constant 0 : index
    %get3A_1 = vector.load %arg1[%get3A, %get3A_0] : memref<2000x128xf32, #tpu.memory_space<vmem>>, vector<2000x128xf32>
    %get3A_2 = arith.constant 0 : index
    %get3A_3 = arith.constant 0 : index
    %get3A_4 = arith.constant 0 : index
    %get3A_5 = vector.load %arg2[%get3A_2, %get3A_3, %get3A_4] : memref<2x2000x128xf32, #tpu.memory_space<vmem>>, vector<1x2000x1xf32>
    %get3A_6 = vector.shape_cast %get3A_5 : vector<1x2000x1xf32> to vector<2000x1xf32>
    %get3A_7 = arith.constant 1 : index
    %get3A_8 = arith.constant 0 : index
    %get3A_9 = arith.constant 0 : index
    %get3A_10 = vector.load %arg2[%get3A_7, %get3A_8, %get3A_9] : memref<2x2000x128xf32, #tpu.memory_space<vmem>>, vector<1x2000x1xf32>
    %get3A_11 = vector.shape_cast %get3A_10 : vector<1x2000x1xf32> to vector<2000x1xf32>
    %add3A = arith.addf %get3A_6, %get3A_11 : vector<2000x1xf32>
    %gt3A = arith.constant 0.000000e+00 : f32
    %gt3A_12 = vector.broadcast %gt3A : f32 to vector<2000x1xf32>
    %gt3A_13 = arith.cmpf ogt, %add3A, %gt3A_12 : vector<2000x1xf32>
    %rsqrt3A = math.rsqrt %add3A : vector<2000x1xf32>
    %jit3A = arith.constant 0.000000e+00 : f32
    %broadcast_in_dim3A = vector.broadcast %jit3A : f32 to vector<2000x1xf32>
    %select_n3A = arith.select %gt3A_13, %rsqrt3A, %broadcast_in_dim3A : vector<2000x1xi1>, vector<2000x1xf32>
    %swap3A = arith.constant 0 : index
    %swap3A_14 = arith.constant 0 : index
    %swap3A_15 = vector.load %arg7[%swap3A, %swap3A_14] : memref<2000x1xf32, #tpu.memory_space<vmem>>, vector<2000x1xf32>
    tpu.vector_store %arg7[%swap3A, %swap3A_14], %select_n3A {strides = array<i32>} : memref<2000x1xf32, #tpu.memory_space<vmem>>, vector<2000x1xf32>,
    %mul3A = vector.broadcast %select_n3A : vector<2000x1xf32> to vector<2000x128xf32>
    %mul3A_16 = arith.mulf %get3A_1, %mul3A : vector<2000x128xf32>
    %swap3A_17 = arith.constant 0 : index
    %swap3A_18 = arith.constant 0 : index
    %swap3A_19 = vector.load %arg8[%swap3A_17, %swap3A_18] : memref<2000x128xf32, #tpu.memory_space<vmem>>, vector<2000x128xf32>
    tpu.vector_store %arg8[%swap3A_17, %swap3A_18], %mul3A_16 {strides = array<i32>} : memref<2000x128xf32, #tpu.memory_space<vmem>>, vector<2000x128xf32>,
    %get3A_20 = arith.constant 0 : index
    %get3A_21 = arith.constant 0 : index
    %get3A_22 = vector.load %arg3[%get3A_20, %get3A_21] : memref<128x128xf32, #tpu.memory_space<vmem>>, vector<128x128xf32>
    %get3A_23 = arith.constant 0 : index
    %get3A_24 = arith.constant 0 : index
    %get3A_25 = vector.load %arg4[%get3A_23, %get3A_24] : memref<1024x128xf32, #tpu.memory_space<vmem>>, vector<1024x128xf32>
    %get3A_26 = arith.constant 0 : index
    %get3A_27 = arith.constant 0 : index
    %get3A_28 = vector.load %arg5[%get3A_26, %get3A_27] : memref<1024x128xf32, #tpu.memory_space<vmem>>, vector<1024x128xf32>
    %get3A_29 = arith.constant 0 : index
    %get3A_30 = arith.constant 0 : index
    %get3A_31 = memref.load %arg6[%get3A_29, %get3A_30] : memref<1x1xf32, #tpu.memory_space<smem>>
    %dot_general3A = arith.constant dense<0.000000e+00> : vector<2000x128xf32>
    %dot_general3A_32 = tpu.matmul %get3A_1, %get3A_22, %dot_general3A {dimension_numbers = #tpu.dot_dimension_numbers<[1], [0], [0], [1], [0, 0, 1, 1], [], []>, transpose_lhs_hint = false} : vector<2000x128xf32>, vector<128x128xf32>, vector<2000x128xf32> -> vector<2000x128xf32>
    %dot_general3A_33 = arith.constant dense<0.000000e+00> : vector<2000x1024xf32>
    %dot_general3A_34 = tpu.matmul %dot_general3A_32, %get3A_25, %dot_general3A_33 {dimension_numbers = #tpu.dot_dimension_numbers<[1], [1], [0], [0], [0, 0, 1, 0], [], []>, transpose_lhs_hint = false} : vector<2000x128xf32>, vector<1024x128xf32>, vector<2000x1024xf32> -> vector<2000x1024xf32>
    %mul3A_35 = vector.broadcast %get3A_31 : f32 to vector<2000x1024xf32>
    %mul3A_36 = arith.mulf %mul3A_35, %dot_general3A_34 : vector<2000x1024xf32>
    %reduce_max3A = arith.constant dense<0xFF800000> : vector<2000xf32>
    %reduce_max3A_37 = vector.multi_reduction <maximumf>, %mul3A_36, %reduce_max3A [1] : vector<2000x1024xf32> to vector<2000xf32>
    %broadcast_in_dim3A_38 = vector.shape_cast %reduce_max3A_37 : vector<2000xf32> to vector<2000x1xf32>
    %sub3A = vector.broadcast %broadcast_in_dim3A_38 : vector<2000x1xf32> to vector<2000x1024xf32>
    %sub3A_39 = arith.subf %mul3A_36, %sub3A : vector<2000x1024xf32>
    %exp3A = math.exp %sub3A_39 : vector<2000x1024xf32>
    %reduce_sum3A = arith.constant dense<0.000000e+00> : vector<2000xf32>
    %reduce_sum3A_40 = vector.multi_reduction <add>, %exp3A, %reduce_sum3A [1] : vector<2000x1024xf32> to vector<2000xf32>
    %broadcast_in_dim3A_41 = vector.shape_cast %reduce_sum3A_40 : vector<2000xf32> to vector<2000x1xf32>
    %div3A = vector.broadcast %broadcast_in_dim3A_41 : vector<2000x1xf32> to vector<2000x1024xf32>
    %div3A_42 = arith.divf %exp3A, %div3A : vector<2000x1024xf32>
    %dot_general3A_43 = arith.constant dense<0.000000e+00> : vector<2000x128xf32>
    %dot_general3A_44 = tpu.matmul %div3A_42, %get3A_28, %dot_general3A_43 {dimension_numbers = #tpu.dot_dimension_numbers<[1], [0], [0], [1], [0, 0, 1, 1], [], []>, transpose_lhs_hint = false} : vector<2000x1024xf32>, vector<1024x128xf32>, vector<2000x128xf32> -> vector<2000x128xf32>
    %swap3A_45 = arith.constant 0 : index
    %swap3A_46 = arith.constant 0 : index
    %swap3A_47 = vector.load %arg9[%swap3A_45, %swap3A_46] : memref<2000x128xf32, #tpu.memory_space<vmem>>, vector<2000x128xf32>
    tpu.vector_store %arg9[%swap3A_45, %swap3A_46], %dot_general3A_44 {strides = array<i32>} : memref<2000x128xf32, #tpu.memory_space<vmem>>, vector<2000x128xf32>,
    return
  }
  func.func @transform_0(%arg0: i32) -> (i32, i32) {
    %c0_i32 = arith.constant 0 : i32
    %c0_i32_0 = arith.constant 0 : i32
    return %arg0, %c0_i32 : i32, i32
  }
  func.func @transform_1(%arg0: i32) -> (i32, i32, i32) {
    %c0_i32 = arith.constant 0 : i32
    %c0_i32_0 = arith.constant 0 : i32
    %c0_i32_1 = arith.constant 0 : i32
    return %c0_i32, %arg0, %c0_i32_0 : i32, i32, i32
  }
  func.func @transform_2(%arg0: i32) -> (i32, i32) {
    %c0_i32 = arith.constant 0 : i32
    %c0_i32_0 = arith.constant 0 : i32
    %c0_i32_1 = arith.constant 0 : i32
    return %c0_i32, %c0_i32_0 : i32, i32
  }
  func.func @transform_3(%arg0: i32) -> (i32, i32) {
    %c0_i32 = arith.constant 0 : i32
    %c0_i32_0 = arith.constant 0 : i32
    %c0_i32_1 = arith.constant 0 : i32
    return %c0_i32, %c0_i32_0 : i32, i32
  }
  func.func @transform_4(%arg0: i32) -> (i32, i32) {
    %c0_i32 = arith.constant 0 : i32
    %c0_i32_0 = arith.constant 0 : i32
    %c0_i32_1 = arith.constant 0 : i32
    return %c0_i32, %c0_i32_0 : i32, i32
  }
  func.func @transform_5(%arg0: i32) -> (i32, i32) {
    %c0_i32 = arith.constant 0 : i32
    %c0_i32_0 = arith.constant 0 : i32
    %c0_i32_1 = arith.constant 0 : i32
    return %c0_i32, %c0_i32_0 : i32, i32
  }
  func.func @transform_6(%arg0: i32) -> (i32, i32) {
    %c0_i32 = arith.constant 0 : i32
    %c0_i32_0 = arith.constant 0 : i32
    return %arg0, %c0_i32 : i32, i32
  }
  func.func @transform_7(%arg0: i32) -> (i32, i32) {
    %c0_i32 = arith.constant 0 : i32
    %c0_i32_0 = arith.constant 0 : i32
    return %arg0, %c0_i32 : i32, i32
  }
  func.func @transform_8(%arg0: i32) -> (i32, i32) {
    %c0_i32 = arith.constant 0 : i32
    %c0_i32_0 = arith.constant 0 : i32
    return %arg0, %c0_i32 : i32, i32
  }
}

module attributes {stable_mosaic.version = 14 : i64} {
  func.func @body(%arg0: i32, %arg1: memref<2000x128xf32, #tpu.memory_space<vmem>>, %arg2: memref<2000x128xf32, #tpu.memory_space<vmem>>, %arg3: memref<2x2000x128xf32, #tpu.memory_space<vmem>>, %arg4: memref<2000x1xf32, #tpu.memory_space<vmem>>, %arg5: memref<128x128xf32, #tpu.memory_space<vmem>>, %arg6: memref<1024x128xf32, #tpu.memory_space<vmem>>, %arg7: memref<1024x128xf32, #tpu.memory_space<vmem>>, %arg8: memref<1x1xf32, #tpu.memory_space<smem>>, %arg9: memref<2000x128xf32, #tpu.memory_space<vmem>>, %arg10: memref<2000x128xf32, #tpu.memory_space<vmem>>, %arg11: memref<2000x128xf32, #tpu.memory_space<vmem>>) attributes {dimension_semantics = [#tpu.dimension_semantics<arbitrary>], iteration_bounds = array<i64: 5>, scalar_prefetch = 0 : i64, scratch_operands = 0 : i64, tpu.core_type = #tpu.core_type<tc>, window_params = [{transform_indices = @transform_0, window_bounds = array<i64: 2000, 128>}, {transform_indices = @transform_1, window_bounds = array<i64: 2000, 128>}, {transform_indices = @transform_2, window_bounds = array<i64: 2, 2000, 128>}, {transform_indices = @transform_3, window_bounds = array<i64: 2000, 1>}, {pipeline_mode = #tpu.pipeline_mode<synchronous>, transform_indices = @transform_4, window_bounds = array<i64: 128, 128>}, {pipeline_mode = #tpu.pipeline_mode<synchronous>, transform_indices = @transform_5, window_bounds = array<i64: 1024, 128>}, {pipeline_mode = #tpu.pipeline_mode<synchronous>, transform_indices = @transform_6, window_bounds = array<i64: 1024, 128>}, {transform_indices = @transform_7, window_bounds = array<i64: 1, 1>}, {transform_indices = @transform_8, window_bounds = array<i64: 2000, 128>}, {transform_indices = @transform_9, window_bounds = array<i64: 2000, 128>}, {transform_indices = @transform_10, window_bounds = array<i64: 2000, 128>}]} {
    %get3A = arith.constant 0 : index
    %get3A_0 = arith.constant 0 : index
    %get3A_1 = vector.load %arg4[%get3A, %get3A_0] : memref<2000x1xf32, #tpu.memory_space<vmem>>, vector<2000x1xf32>
    %get3A_2 = arith.constant 0 : index
    %get3A_3 = arith.constant 0 : index
    %get3A_4 = vector.load %arg1[%get3A_2, %get3A_3] : memref<2000x128xf32, #tpu.memory_space<vmem>>, vector<2000x128xf32>
    %get3A_5 = arith.constant 0 : index
    %get3A_6 = arith.constant 0 : index
    %get3A_7 = vector.load %arg2[%get3A_5, %get3A_6] : memref<2000x128xf32, #tpu.memory_space<vmem>>, vector<2000x128xf32>
    %get3A_8 = arith.constant 0 : index
    %get3A_9 = arith.constant 0 : index
    %get3A_10 = arith.constant 0 : index
    %get3A_11 = vector.load %arg3[%get3A_8, %get3A_9, %get3A_10] : memref<2x2000x128xf32, #tpu.memory_space<vmem>>, vector<2x2000x128xf32>
    %slice3A = vector.extract_strided_slice %get3A_11 {offsets = [0, 0, 0], sizes = [1, 2000, 128], strides = [1, 1, 1]} : vector<2x2000x128xf32> to vector<1x2000x128xf32>
    %squeeze3A = vector.shape_cast %slice3A : vector<1x2000x128xf32> to vector<2000x128xf32>
    %slice3A_12 = vector.extract_strided_slice %get3A_11 {offsets = [1, 0, 0], sizes = [1, 2000, 128], strides = [1, 1, 1]} : vector<2x2000x128xf32> to vector<1x2000x128xf32>
    %squeeze3A_13 = vector.shape_cast %slice3A_12 : vector<1x2000x128xf32> to vector<2000x128xf32>
    %add3A = arith.addf %squeeze3A, %squeeze3A_13 : vector<2000x128xf32>
    %mul3A = vector.broadcast %get3A_1 : vector<2000x1xf32> to vector<2000x128xf32>
    %mul3A_14 = arith.mulf %mul3A, %add3A : vector<2000x128xf32>
    %sub3A = arith.subf %get3A_4, %mul3A_14 : vector<2000x128xf32>
    %mul3A_15 = arith.constant 5.000000e-01 : f32
    %mul3A_16 = vector.broadcast %mul3A_15 : f32 to vector<2000x128xf32>
    %mul3A_17 = arith.mulf %mul3A_16, %get3A_4 : vector<2000x128xf32>
    %mul3A_18 = arith.constant 2.000000e-01 : f32
    %mul3A_19 = vector.broadcast %mul3A_18 : f32 to vector<2000x128xf32>
    %mul3A_20 = arith.mulf %mul3A_19, %sub3A : vector<2000x128xf32>
    %sub3A_21 = arith.subf %get3A_7, %mul3A_20 : vector<2000x128xf32>
    %mul3A_22 = arith.constant 5.000000e-01 : f32
    %mul3A_23 = vector.broadcast %mul3A_22 : f32 to vector<2000x128xf32>
    %mul3A_24 = arith.mulf %mul3A_23, %sub3A_21 : vector<2000x128xf32>
    %add3A_25 = arith.addf %mul3A_17, %mul3A_24 : vector<2000x128xf32>
    %swap3A = arith.constant 0 : index
    %swap3A_26 = arith.constant 0 : index
    %swap3A_27 = vector.load %arg9[%swap3A, %swap3A_26] : memref<2000x128xf32, #tpu.memory_space<vmem>>, vector<2000x128xf32>
    tpu.vector_store %arg9[%swap3A, %swap3A_26], %add3A_25 {strides = array<i32>} : memref<2000x128xf32, #tpu.memory_space<vmem>>, vector<2000x128xf32>,
    %mul3A_28 = vector.broadcast %get3A_1 : vector<2000x1xf32> to vector<2000x128xf32>
    %mul3A_29 = arith.mulf %add3A_25, %mul3A_28 : vector<2000x128xf32>
    %swap3A_30 = arith.constant 0 : index
    %swap3A_31 = arith.constant 0 : index
    %swap3A_32 = vector.load %arg10[%swap3A_30, %swap3A_31] : memref<2000x128xf32, #tpu.memory_space<vmem>>, vector<2000x128xf32>
    tpu.vector_store %arg10[%swap3A_30, %swap3A_31], %mul3A_29 {strides = array<i32>} : memref<2000x128xf32, #tpu.memory_space<vmem>>, vector<2000x128xf32>,
    %get3A_33 = arith.constant 0 : index
    %get3A_34 = arith.constant 0 : index
    %get3A_35 = vector.load %arg5[%get3A_33, %get3A_34] : memref<128x128xf32, #tpu.memory_space<vmem>>, vector<128x128xf32>
    %get3A_36 = arith.constant 0 : index
    %get3A_37 = arith.constant 0 : index
    %get3A_38 = vector.load %arg6[%get3A_36, %get3A_37] : memref<1024x128xf32, #tpu.memory_space<vmem>>, vector<1024x128xf32>
    %get3A_39 = arith.constant 0 : index
    %get3A_40 = arith.constant 0 : index
    %get3A_41 = vector.load %arg7[%get3A_39, %get3A_40] : memref<1024x128xf32, #tpu.memory_space<vmem>>, vector<1024x128xf32>
    %get3A_42 = arith.constant 0 : index
    %get3A_43 = arith.constant 0 : index
    %get3A_44 = memref.load %arg8[%get3A_42, %get3A_43] : memref<1x1xf32, #tpu.memory_space<smem>>
    %dot_general3A = arith.constant dense<0.000000e+00> : vector<2000x128xf32>
    %dot_general3A_45 = tpu.matmul %add3A_25, %get3A_35, %dot_general3A {dimension_numbers = #tpu.dot_dimension_numbers<[1], [0], [0], [1], [0, 0, 1, 1], [], []>, transpose_lhs_hint = false} : vector<2000x128xf32>, vector<128x128xf32>, vector<2000x128xf32> -> vector<2000x128xf32>
    %dot_general3A_46 = arith.constant dense<0.000000e+00> : vector<2000x1024xf32>
    %dot_general3A_47 = tpu.matmul %dot_general3A_45, %get3A_38, %dot_general3A_46 {dimension_numbers = #tpu.dot_dimension_numbers<[1], [1], [0], [0], [0, 0, 1, 0], [], []>, transpose_lhs_hint = false} : vector<2000x128xf32>, vector<1024x128xf32>, vector<2000x1024xf32> -> vector<2000x1024xf32>
    %mul3A_48 = vector.broadcast %get3A_44 : f32 to vector<2000x1024xf32>
    %mul3A_49 = arith.mulf %mul3A_48, %dot_general3A_47 : vector<2000x1024xf32>
    %reduce_max3A = arith.constant dense<0xFF800000> : vector<2000xf32>
    %reduce_max3A_50 = vector.multi_reduction <maximumf>, %mul3A_49, %reduce_max3A [1] : vector<2000x1024xf32> to vector<2000xf32>
    %broadcast_in_dim3A = vector.shape_cast %reduce_max3A_50 : vector<2000xf32> to vector<2000x1xf32>
    %sub3A_51 = vector.broadcast %broadcast_in_dim3A : vector<2000x1xf32> to vector<2000x1024xf32>
    %sub3A_52 = arith.subf %mul3A_49, %sub3A_51 : vector<2000x1024xf32>
    %exp3A = math.exp %sub3A_52 : vector<2000x1024xf32>
    %reduce_sum3A = arith.constant dense<0.000000e+00> : vector<2000xf32>
    %reduce_sum3A_53 = vector.multi_reduction <add>, %exp3A, %reduce_sum3A [1] : vector<2000x1024xf32> to vector<2000xf32>
    %broadcast_in_dim3A_54 = vector.shape_cast %reduce_sum3A_53 : vector<2000xf32> to vector<2000x1xf32>
    %div3A = vector.broadcast %broadcast_in_dim3A_54 : vector<2000x1xf32> to vector<2000x1024xf32>
    %div3A_55 = arith.divf %exp3A, %div3A : vector<2000x1024xf32>
    %dot_general3A_56 = arith.constant dense<0.000000e+00> : vector<2000x128xf32>
    %dot_general3A_57 = tpu.matmul %div3A_55, %get3A_41, %dot_general3A_56 {dimension_numbers = #tpu.dot_dimension_numbers<[1], [0], [0], [1], [0, 0, 1, 1], [], []>, transpose_lhs_hint = false} : vector<2000x1024xf32>, vector<1024x128xf32>, vector<2000x128xf32> -> vector<2000x128xf32>
    %swap3A_58 = arith.constant 0 : index
    %swap3A_59 = arith.constant 0 : index
    %swap3A_60 = vector.load %arg11[%swap3A_58, %swap3A_59] : memref<2000x128xf32, #tpu.memory_space<vmem>>, vector<2000x128xf32>
    tpu.vector_store %arg11[%swap3A_58, %swap3A_59], %dot_general3A_57 {strides = array<i32>} : memref<2000x128xf32, #tpu.memory_space<vmem>>, vector<2000x128xf32>,
    return
  }
  func.func @transform_0(%arg0: i32) -> (i32, i32) {
    %c0_i32 = arith.constant 0 : i32
    %c0_i32_0 = arith.constant 0 : i32
    return %arg0, %c0_i32 : i32, i32
  }
  func.func @transform_1(%arg0: i32) -> (i32, i32) {
    %c0_i32 = arith.constant 0 : i32
    %c0_i32_0 = arith.constant 0 : i32
    return %arg0, %c0_i32 : i32, i32
  }
  func.func @transform_2(%arg0: i32) -> (i32, i32, i32) {
    %c0_i32 = arith.constant 0 : i32
    %c0_i32_0 = arith.constant 0 : i32
    %c0_i32_1 = arith.constant 0 : i32
    return %c0_i32, %arg0, %c0_i32_0 : i32, i32, i32
  }
  func.func @transform_3(%arg0: i32) -> (i32, i32) {
    %c0_i32 = arith.constant 0 : i32
    %c0_i32_0 = arith.constant 0 : i32
    return %arg0, %c0_i32 : i32, i32
  }
  func.func @transform_4(%arg0: i32) -> (i32, i32) {
    %c0_i32 = arith.constant 0 : i32
    %c0_i32_0 = arith.constant 0 : i32
    %c0_i32_1 = arith.constant 0 : i32
    return %c0_i32, %c0_i32_0 : i32, i32
  }
  func.func @transform_5(%arg0: i32) -> (i32, i32) {
    %c0_i32 = arith.constant 0 : i32
    %c0_i32_0 = arith.constant 0 : i32
    %c0_i32_1 = arith.constant 0 : i32
    return %c0_i32, %c0_i32_0 : i32, i32
  }
  func.func @transform_6(%arg0: i32) -> (i32, i32) {
    %c0_i32 = arith.constant 0 : i32
    %c0_i32_0 = arith.constant 0 : i32
    %c0_i32_1 = arith.constant 0 : i32
    return %c0_i32, %c0_i32_0 : i32, i32
  }
  func.func @transform_7(%arg0: i32) -> (i32, i32) {
    %c0_i32 = arith.constant 0 : i32
    %c0_i32_0 = arith.constant 0 : i32
    %c0_i32_1 = arith.constant 0 : i32
    return %c0_i32, %c0_i32_0 : i32, i32
  }
  func.func @transform_8(%arg0: i32) -> (i32, i32) {
    %c0_i32 = arith.constant 0 : i32
    %c0_i32_0 = arith.constant 0 : i32
    return %arg0, %c0_i32 : i32, i32
  }
  func.func @transform_9(%arg0: i32) -> (i32, i32) {
    %c0_i32 = arith.constant 0 : i32
    %c0_i32_0 = arith.constant 0 : i32
    return %arg0, %c0_i32 : i32, i32
  }
  func.func @transform_10(%arg0: i32) -> (i32, i32) {
    %c0_i32 = arith.constant 0 : i32
    %c0_i32_0 = arith.constant 0 : i32
    return %arg0, %c0_i32 : i32, i32
  }
}

module attributes {stable_mosaic.version = 14 : i64} {
  func.func @body(%arg0: i32, %arg1: memref<2000x128xf32, #tpu.memory_space<vmem>>, %arg2: memref<2000x128xf32, #tpu.memory_space<vmem>>, %arg3: memref<2x2000x128xf32, #tpu.memory_space<vmem>>, %arg4: memref<2000x1xf32, #tpu.memory_space<vmem>>, %arg5: memref<128xf32, #tpu.memory_space<vmem>>, %arg6: memref<128xf32, #tpu.memory_space<vmem>>, %arg7: memref<2000x128xf32, #tpu.memory_space<vmem>>) attributes {dimension_semantics = [#tpu.dimension_semantics<arbitrary>], iteration_bounds = array<i64: 5>, scalar_prefetch = 0 : i64, scratch_operands = 0 : i64, tpu.core_type = #tpu.core_type<tc>, window_params = [{transform_indices = @transform_0, window_bounds = array<i64: 2000, 128>}, {transform_indices = @transform_1, window_bounds = array<i64: 2000, 128>}, {transform_indices = @transform_2, window_bounds = array<i64: 2, 2000, 128>}, {transform_indices = @transform_3, window_bounds = array<i64: 2000, 1>}, {pipeline_mode = #tpu.pipeline_mode<synchronous>, transform_indices = @transform_4, window_bounds = array<i64: 128>}, {pipeline_mode = #tpu.pipeline_mode<synchronous>, transform_indices = @transform_5, window_bounds = array<i64: 128>}, {transform_indices = @transform_6, window_bounds = array<i64: 2000, 128>}]} {
    %get3A = arith.constant 0 : index
    %get3A_0 = arith.constant 0 : index
    %get3A_1 = vector.load %arg1[%get3A, %get3A_0] : memref<2000x128xf32, #tpu.memory_space<vmem>>, vector<2000x128xf32>
    %get3A_2 = arith.constant 0 : index
    %get3A_3 = arith.constant 0 : index
    %get3A_4 = vector.load %arg2[%get3A_2, %get3A_3] : memref<2000x128xf32, #tpu.memory_space<vmem>>, vector<2000x128xf32>
    %get3A_5 = arith.constant 0 : index
    %get3A_6 = arith.constant 0 : index
    %get3A_7 = arith.constant 0 : index
    %get3A_8 = vector.load %arg3[%get3A_5, %get3A_6, %get3A_7] : memref<2x2000x128xf32, #tpu.memory_space<vmem>>, vector<2x2000x128xf32>
    %get3A_9 = arith.constant 0 : index
    %get3A_10 = arith.constant 0 : index
    %get3A_11 = vector.load %arg4[%get3A_9, %get3A_10] : memref<2000x1xf32, #tpu.memory_space<vmem>>, vector<2000x1xf32>
    %slice3A = vector.extract_strided_slice %get3A_8 {offsets = [0, 0, 0], sizes = [1, 2000, 128], strides = [1, 1, 1]} : vector<2x2000x128xf32> to vector<1x2000x128xf32>
    %squeeze3A = vector.shape_cast %slice3A : vector<1x2000x128xf32> to vector<2000x128xf32>
    %slice3A_12 = vector.extract_strided_slice %get3A_8 {offsets = [1, 0, 0], sizes = [1, 2000, 128], strides = [1, 1, 1]} : vector<2x2000x128xf32> to vector<1x2000x128xf32>
    %squeeze3A_13 = vector.shape_cast %slice3A_12 : vector<1x2000x128xf32> to vector<2000x128xf32>
    %add3A = arith.addf %squeeze3A, %squeeze3A_13 : vector<2000x128xf32>
    %mul3A = vector.broadcast %get3A_11 : vector<2000x1xf32> to vector<2000x128xf32>
    %mul3A_14 = arith.mulf %mul3A, %add3A : vector<2000x128xf32>
    %sub3A = arith.subf %get3A_1, %mul3A_14 : vector<2000x128xf32>
    %mul3A_15 = arith.constant 5.000000e-01 : f32
    %mul3A_16 = vector.broadcast %mul3A_15 : f32 to vector<2000x128xf32>
    %mul3A_17 = arith.mulf %mul3A_16, %get3A_1 : vector<2000x128xf32>
    %mul3A_18 = arith.constant 2.000000e-01 : f32
    %mul3A_19 = vector.broadcast %mul3A_18 : f32 to vector<2000x128xf32>
    %mul3A_20 = arith.mulf %mul3A_19, %sub3A : vector<2000x128xf32>
    %sub3A_21 = arith.subf %get3A_4, %mul3A_20 : vector<2000x128xf32>
    %mul3A_22 = arith.constant 5.000000e-01 : f32
    %mul3A_23 = vector.broadcast %mul3A_22 : f32 to vector<2000x128xf32>
    %mul3A_24 = arith.mulf %mul3A_23, %sub3A_21 : vector<2000x128xf32>
    %add3A_25 = arith.addf %mul3A_17, %mul3A_24 : vector<2000x128xf32>
    %reduce_sum3A = arith.constant dense<0.000000e+00> : vector<2000xf32>
    %reduce_sum3A_26 = vector.multi_reduction <add>, %add3A_25, %reduce_sum3A [1] : vector<2000x128xf32> to vector<2000xf32>
    %broadcast_in_dim3A = vector.shape_cast %reduce_sum3A_26 : vector<2000xf32> to vector<2000x1xf32>
    %div3A = arith.constant 1.280000e+02 : f32
    %div3A_27 = vector.broadcast %div3A : f32 to vector<2000x1xf32>
    %div3A_28 = arith.divf %broadcast_in_dim3A, %div3A_27 : vector<2000x1xf32>
    %sub3A_29 = vector.broadcast %div3A_28 : vector<2000x1xf32> to vector<2000x128xf32>
    %sub3A_30 = arith.subf %add3A_25, %sub3A_29 : vector<2000x128xf32>
    %mul3A_31 = arith.mulf %sub3A_30, %sub3A_30 : vector<2000x128xf32>
    %reduce_sum3A_32 = arith.constant dense<0.000000e+00> : vector<2000xf32>
    %reduce_sum3A_33 = vector.multi_reduction <add>, %mul3A_31, %reduce_sum3A_32 [1] : vector<2000x128xf32> to vector<2000xf32>
    %broadcast_in_dim3A_34 = vector.shape_cast %reduce_sum3A_33 : vector<2000xf32> to vector<2000x1xf32>
    %div3A_35 = arith.constant 1.280000e+02 : f32
    %div3A_36 = vector.broadcast %div3A_35 : f32 to vector<2000x1xf32>
    %div3A_37 = arith.divf %broadcast_in_dim3A_34, %div3A_36 : vector<2000x1xf32>
    %get3A_38 = arith.constant 0 : index
    %get3A_39 = vector.load %arg5[%get3A_38] : memref<128xf32, #tpu.memory_space<vmem>>, vector<128xf32>
    %broadcast_in_dim3A_40 = vector.shape_cast %get3A_39 : vector<128xf32> to vector<1x128xf32>
    %mul3A_41 = vector.broadcast %broadcast_in_dim3A_40 : vector<1x128xf32> to vector<2000x128xf32>
    %mul3A_42 = arith.mulf %mul3A_41, %sub3A_30 : vector<2000x128xf32>
    %add3A_43 = arith.constant 9.99999974E-6 : f32
    %add3A_44 = vector.broadcast %add3A_43 : f32 to vector<2000x1xf32>
    %add3A_45 = arith.addf %div3A_37, %add3A_44 : vector<2000x1xf32>
    %rsqrt3A = math.rsqrt %add3A_45 : vector<2000x1xf32>
    %mul3A_46 = vector.broadcast %rsqrt3A : vector<2000x1xf32> to vector<2000x128xf32>
    %mul3A_47 = arith.mulf %mul3A_42, %mul3A_46 : vector<2000x128xf32>
    %get3A_48 = arith.constant 0 : index
    %get3A_49 = vector.load %arg6[%get3A_48] : memref<128xf32, #tpu.memory_space<vmem>>, vector<128xf32>
    %broadcast_in_dim3A_50 = vector.shape_cast %get3A_49 : vector<128xf32> to vector<1x128xf32>
    %add3A_51 = vector.broadcast %broadcast_in_dim3A_50 : vector<1x128xf32> to vector<2000x128xf32>
    %add3A_52 = arith.addf %mul3A_47, %add3A_51 : vector<2000x128xf32>
    %swap3A = arith.constant 0 : index
    %swap3A_53 = arith.constant 0 : index
    %swap3A_54 = vector.load %arg7[%swap3A, %swap3A_53] : memref<2000x128xf32, #tpu.memory_space<vmem>>, vector<2000x128xf32>
    tpu.vector_store %arg7[%swap3A, %swap3A_53], %add3A_52 {strides = array<i32>} : memref<2000x128xf32, #tpu.memory_space<vmem>>, vector<2000x128xf32>,
    return
  }
  func.func @transform_0(%arg0: i32) -> (i32, i32) {
    %c0_i32 = arith.constant 0 : i32
    %c0_i32_0 = arith.constant 0 : i32
    return %arg0, %c0_i32 : i32, i32
  }
  func.func @transform_1(%arg0: i32) -> (i32, i32) {
    %c0_i32 = arith.constant 0 : i32
    %c0_i32_0 = arith.constant 0 : i32
    return %arg0, %c0_i32 : i32, i32
  }
  func.func @transform_2(%arg0: i32) -> (i32, i32, i32) {
    %c0_i32 = arith.constant 0 : i32
    %c0_i32_0 = arith.constant 0 : i32
    %c0_i32_1 = arith.constant 0 : i32
    return %c0_i32, %arg0, %c0_i32_0 : i32, i32, i32
  }
  func.func @transform_3(%arg0: i32) -> (i32, i32) {
    %c0_i32 = arith.constant 0 : i32
    %c0_i32_0 = arith.constant 0 : i32
    return %arg0, %c0_i32 : i32, i32
  }
  func.func @transform_4(%arg0: i32) -> i32 {
    %c0_i32 = arith.constant 0 : i32
    %c0_i32_0 = arith.constant 0 : i32
    return %c0_i32 : i32
  }
  func.func @transform_5(%arg0: i32) -> i32 {
    %c0_i32 = arith.constant 0 : i32
    %c0_i32_0 = arith.constant 0 : i32
    return %c0_i32 : i32
  }
  func.func @transform_6(%arg0: i32) -> (i32, i32) {
    %c0_i32 = arith.constant 0 : i32
    %c0_i32_0 = arith.constant 0 : i32
    return %arg0, %c0_i32 : i32, i32
  }
}

</mosaic_0001>

<sc_bundles>
// kernel: kernel.11.cloned.1.call-start
scs
__scs_entry_jumppad:
0x0: {  	(pc) =	sbr.rel $0x88, $3  }
0x1: {  	(tag) =	ssettag $0x0;
	lr =	simm.s32 $0x1  }
0x2: {  	[smem:$0x3F99] =	sst lr;
	_ =	strace $0xD0000000  }
0x3: {  	_ = 	snop  }
0x4: {  	_ = 	snop  }
0x5: {  	_ = 	snop  }
0x6: {  	_ = 	snop  }
0x7: {  	_ = 	snop  }
__scs_overlays_trampoline_lowered:
0x8: {  	[smem:$0x3FA8] =	sst s0  }
0x9: {  	[smem:$0x3FA9] =	sst s1  }
0xa: {  	[smem:$0x3FAA] =	sst s2  }
0xb: {  	[smem:$0x3FAB] =	sst s3  }
0xc: {  	[smem:$0x3FAC] =	sst s4  }
0xd: {  	[smem:$0x3FAD] =	sst s5  }
0xe: {  	[smem:$0x3FAE] =	sst s6  }
0xf: {  	[smem:$0x3FAF] =	sst s7  }
0x10: {  	[smem:$0x3FB0] =	sst s8  }
0x11: {  	[smem:$0x3FB1] =	sst s9;
	s0 =	simm.s32 @!p0 $0x0  }
0x12: {  	s1 =	sld [smem:$0x3F97];
	s0 =	simm.s32 @p0 $0x1  }
0x13: {  	[smem:$0x3FB2] =	sst s0;
	s0 =	simm.s32 @!p1 $0x0  }
0x14: {  	s2 =	sld [smem:$0x3F96];
	s0 =	simm.s32 @p1 $0x1  }
0x15: {  	[smem:$0x3FB3] =	sst s0;
	s0 =	simm.s32 @!p2 $0x0  }
0x16: {  	s3 =	sld [smem:$0x3FDB];
	s0 =	simm.s32 @p2 $0x1  }
0x17: {  	s4 =	simm.s32 $0x1BF5;
	[smem:$0x3FB5] =	sst s0  }
0x18: {  	s0 =	sld [smem:$0x3F98];
	_ =	swait.ge [sflag:s4], $0x0  }
0x19: {  	s7 =	sld [smem:$0x3F99]  }
0x1a: {  	s8 =	sadd.s32 $0xFFFFE003, lr  }
0x1b: {  	s9 =	sadd.s32 $0xFFFFFEF7, lr;
	s5 =	simm.s32 $0xFFFFFFFF;
	p2 =	slt.u32 s8, $0xFFFFF086  }
0x1c: {  	p1 =	slt.u32 s9, $0xF7A;
	s5 =	simm.s32 @!p2 $0x0  }
0x1d: {  	s5 =	simm.s32 @p1 $0x1;
	p0 =	seq.s32 s7, s2  }
0x1e: {  	s7 =	smul.u32 @!p0 $0xF7A, s2;
	p2 =	seq.s32 @!p0 s5, $0x0  }
0x1f: {  	s9 =	smul.u32 $0xF7A, s1;
	s8 =	simm.s32 @!p0 $0x1BF5;
	p2 =	por !p2, p0  }
0x20: {  	[sflag:s8] =	ssyncset.s32 @!p0 $0xFFFFF086;
	s6 =	sadd.s32 @!p0 s3, s7;
	s7 =	simm.s32 @!p0 $0x108  }
0x21: {  	s3 =	sadd.s32 s3, s9;
	s6 =	sadd.s32 @!p0 $0x88, s6;
	s7 =	simm.s32 @p2 $0x1082  }
0x22: {  	[simem:s7], [sflag:s8] =	dma.local @!p0 [hbm:s6], $0xF7A  }
0x23: {  	s9 =	sor.u32 $0xD0000000, s2;
	s6 =	simm.s32 $0x108;
	_ =	swait.ge @!p0 [sflag:s8], $0x0  }
0x24: {  	s3 =	sadd.s32 $0x88, s3;
	s6 =	simm.s32 @!p1 $0x1082;
	[sflag:s4] =	ssyncset.s32 $0xFFFFF086  }
0x25: {  	[simem:s6], [sflag:s4] =	dma.local [hbm:s3], $0xF7A  }
0x26: {  	[smem:$0x3F99] =	sst s1;
	(tag) =	ssettag s2;
	_ =	strace s9  }
0x27: {  	s1 =	sld [smem:$0x3FA9]  }
0x28: {  	s2 =	sld [smem:$0x3FAA]  }
0x29: {  	s4 =	sld [smem:$0x3FAC]  }
0x2a: {  	p0 =	seq.s32 s5, $0x0;
	s5 =	sld [smem:$0x3FAD]  }
0x2b: {  	s6 =	sld [smem:$0x3FAE]  }
0x2c: {  	s7 =	sld [smem:$0x3FAF]  }
0x2d: {  	s3 =	simm.s32 $0x108;
	s8 =	sld [smem:$0x3FB0]  }
0x2e: {  	s3 =	simm.s32 @!p0 $0x1082;
	s9 =	sld [smem:$0x3FB1]  }
0x2f: {  	lr =	sadd.s32 s0, s3;
	s0 =	sld [smem:$0x3FA8]  }
0x30: {  	s3 =	sld [smem:$0x3FAB]  }
0x31: {  	[smem:$0x3FB4] =	sst s10  }
0x32: {  	s10 =	sld [smem:$0x3FB2];
	_ =	sdelay $0x3  }
0x33: {  	p0 =	seq.s32 s10, $0x1;
	s10 =	sld [smem:$0x3FB4];
	_ =	sdelay $0x3  }
0x34: {  	[smem:$0x3FB4] =	sst s10  }
0x35: {  	s10 =	sld [smem:$0x3FB3];
	_ =	sdelay $0x3  }
0x36: {  	p1 =	seq.s32 s10, $0x1;
	s10 =	sld [smem:$0x3FB4];
	_ =	sdelay $0x3  }
0x37: {  	[smem:$0x3FB4] =	sst s10  }
0x38: {  	s10 =	sld [smem:$0x3FB5]  }
0x39: {  	_ = 	snop;
	(pc) =	sbr.ind lr, $3  }
0x3a: {  	_ = 	snop  }
0x3b: {  	_ = 	snop  }
0x3c: {  	p2 =	seq.s32 s10, $0x1;
	s10 =	sld [smem:$0x3FB4]  }
0x3d: {  	_ =	shalt  }
0x3e: {  	_ =	shalt  }
0x3f: {  	_ =	shalt  }
0x40: {  	_ =	shalt  }
0x41: {  	_ =	shalt  }
0x42: {  	_ =	shalt  }
0x43: {  	_ =	shalt  }
0x44: {  	_ =	shalt  }
0x45: {  	_ =	shalt  }
0x46: {  	_ =	shalt  }
0x47: {  	_ =	shalt  }
0x48: {  	_ =	shalt  }
0x49: {  	_ =	shalt  }
0x4a: {  	_ =	shalt  }
0x4b: {  	_ =	shalt  }
0x4c: {  	_ =	shalt  }
0x4d: {  	_ =	shalt  }
0x4e: {  	_ =	shalt  }
0x4f: {  	_ =	shalt  }
0x50: {  	_ =	shalt  }
0x51: {  	_ =	shalt  }
0x52: {  	_ =	shalt  }
0x53: {  	_ =	shalt  }
0x54: {  	_ =	shalt  }
0x55: {  	_ =	shalt  }
0x56: {  	_ =	shalt  }
0x57: {  	_ =	shalt  }
0x58: {  	_ =	shalt  }
0x59: {  	_ =	shalt  }
0x5a: {  	_ =	shalt  }
0x5b: {  	_ =	shalt  }
0x5c: {  	_ =	shalt  }
0x5d: {  	_ =	shalt  }
0x5e: {  	_ =	shalt  }
0x5f: {  	_ =	shalt  }
0x60: {  	_ =	shalt  }
0x61: {  	_ =	shalt  }
0x62: {  	_ =	shalt  }
0x63: {  	_ =	shalt  }
0x64: {  	_ =	shalt  }
0x65: {  	_ =	shalt  }
0x66: {  	_ =	shalt  }
0x67: {  	_ =	shalt  }
0x68: {  	_ =	shalt  }
0x69: {  	_ =	shalt  }
0x6a: {  	_ =	shalt  }
0x6b: {  	_ =	shalt  }
0x6c: {  	_ =	shalt  }
0x6d: {  	_ =	shalt  }
0x6e: {  	_ =	shalt  }
0x6f: {  	_ =	shalt  }
0x70: {  	_ =	shalt  }
0x71: {  	_ =	shalt  }
0x72: {  	_ =	shalt  }
0x73: {  	_ =	shalt  }
0x74: {  	_ =	shalt  }
0x75: {  	_ =	shalt  }
0x76: {  	_ =	shalt  }
0x77: {  	_ =	shalt  }
0x78: {  	_ =	shalt  }
0x79: {  	_ =	shalt  }
0x7a: {  	_ =	shalt  }
0x7b: {  	_ =	shalt  }
0x7c: {  	_ =	shalt  }
0x7d: {  	_ =	shalt  }
0x7e: {  	_ =	shalt  }
0x7f: {  	_ =	shalt  }
0x80: {  	_ =	shalt  }
0x81: {  	_ =	shalt  }
0x82: {  	_ =	shalt  }
0x83: {  	_ =	shalt  }
0x84: {  	_ =	shalt  }
0x85: {  	_ =	shalt  }
0x86: {  	_ =	shalt  }
0x87: {  	_ =	shalt  }
.Lfunc_end0:
.L_simem_size_0:
called_computation.1_lowered:
.L_overlay_start_0:
0x88: {  	s2 =	sld [smem:$0x3FD9]  }
0x89: {  	s3 =	sld [smem:$0x3FFE];
	_ =	sdelay $0x1  }
0x8a: {  	s1 =	srdreg.scid  }
0x8b: {  	s0 =	sand.u32 $0x1, s1  }
0x8c: {  	s17 =	sshll.u32 s0, $0xA;
	s2 =	sadd.s32 s3, s2  }
0x8d: {  	s2 =	sadd.s32 s2, s17  }
0x8e: {  	[smem:$0x3FC0] =	sst s2  }
0x8f: {  	_ = 	snop  }
0x90: {  	s2 =	sld [smem:$0x3FD0];
	(tm) =	ssettm $0x1  }
0x91: {  	s18 =	sld [smem:$0x3FFB];
	_ =	sdelay $0x3  }
0x92: {  	_ =	strace s18  }
0x93: {  	s3 =	sld [smem:$0x3FFC];
	_ =	sdelay $0x3  }
0x94: {  	_ =	strace s3  }
0x95: {  	s3 =	sld [smem:$0x3FFD];
	_ =	sdelay $0x3  }
0x96: {  	_ =	strace s3  }
0x97: {  	_ =	strace $0x8FFFFFFF  }
0x98: {  	s19 =	sld [smem:$0x3FDB];
	_ =	sdelay $0x1  }
0x99: {  	s4 =	simm.s32 $_scs_section_size  }
0x9a: {  	s5 =	simm.s32 $_size__tile_overlayer_lowered;
	s6 =	simm.s32 $_tile_overlayer_lowered  }
0x9b: {  	s22 =	simm.s32 $0x1BFF;
	s21 =	sshll.u32 s6, $0x1;
	s3 =	sadd.s32 s4, s19  }
0x9c: {  	s7 =	simm.s32 $0x0;
	s20 =	sshll.u32 s5, $0x1;
	s5 =	sadd.s32 s21, s3  }
0x9d: {  	[timem:s7], [sflag:s22] =	dma.local [hbm:s5], s20  }
0x9e: {  	_ =	swait.ge [sflag:s22], s20  }
0x9f: {  	s4 =	ssub.s32 $0x0, s20;
	[sflag:s22] =	ssyncset.done $0x0  }
0xa0: {  	[sflag:s22] =	ssyncadd.s32 s4;
	_ =	sdelay $0x1  }
0xa1: {  	s23 =	simm.s32 $0x1B8B  }
0xa2: {  	_ =	swait.ge [sflag:s23], $0x1  }
0xa3: {  	[sflag:s23] =	ssyncset.done $0x0  }
0xa4: {  	s25 =	simm.s32 $0x1B8E;
	s24 =	sld [smem:$0x3FFE];
	[sflag:s23] =	ssyncadd.s32 $0xFFFFFFFF  }
0xa5: {  	s26 =	simm.s32 $execute0_lowered;
	[smem:$0x3FD2] =	sst s25  }
0xa6: {  	s5 =	sshll.u32 s26, $0x1;
	_ =	strace $0x80000049;
	[dreg:$0x1] =	wrdreg $0xFFFFFFFF  }
0xa7: {  	s28 =	simm.s32 $_size_execute0_lowered;
	s3 =	sadd.s32 s3, s5;
	[dreg:$0x0] =	wrdreg $0x0  }
0xa8: {  	s5 =	sshll.u32 s28, $0x1;
	[dreg:$0x2] =	wrdreg s3  }
0xa9: {  	[dreg:$0x3] =	wrdreg s5  }
0xaa: {  	[dreg:$0x4] =	wrdreg $0xC0  }
0xab: {  	_ =	task [dreg:s7], $0x5FFFF  }
0xac: {  	[dreg:$0x1] =	wrdreg $0xFFFFFFFF  }
0xad: {  	[dreg:$0x0] =	wrdreg $0x60  }
0xae: {  	[dreg:$0x2] =	wrdreg s24  }
0xaf: {  	[dreg:$0x3] =	wrdreg s2  }
0xb0: {  	[dreg:$0x4] =	wrdreg $0x70000  }
0xb1: {  	[dreg:$0x5] =	wrdreg $0x9  }
0xb2: {  	_ =	task.clear_ibuf [dreg:s7], $0x6FFFF;
	_ =	strace $0x90000049  }
0xb3: {  	s29 =	simm.s32 $0x9;
	_ =	strace $0x8000004B  }
0xb4: {  	_ =	swait.ge [sflag:s29], $0x1  }
0xb5: {  	[sflag:s29] =	ssyncadd.s32 $0xFFFFFFFF  }
0xb6: {  	_ =	strace $0x9000004B  }
0xb7: {  	_ =	sfence  }
0xb8: {  	s30 =	sld [smem:$0x0];
	_ =	sdelay $0x2  }
0xb9: {  	s31 =	sshll.u32 s1, $0xD;
	s1 =	sshrl.u32 s1, $0x2  }
0xba: {  	s3 =	sand.u32 $0x4000, s31;
	s1 =	sadd.s32 s1, s30  }
0xbb: {  	s0 =	sor.u32 s3, s0;
	s1 =	sshll.u32 s1, $0x11  }
0xbc: {  	s0 =	sor.u32 s1, s0  }
0xbd: {  	s0 =	sadd.s32 $0x8F2B, s0  }
0xbe: {  	[sflag:s0] =	ssyncadd.remote.s32 $0x1  }
0xbf: {  	_ =	sfence.sel $0xFFFF  }
0xc0: {  	[dreg:$0x0] =	wrdreg $0xFFFFFFFF;
	(pc) =	sbr.abs _section_cstart, $3  }
0xc1: {  	[dreg:$0x1] =	wrdreg $0xFFFFFFFF  }
0xc2: {  	_ =	task.clear_ibuf [dreg:s7], $0x2FFFF;
	_ =	strace $0x9FFFFFFF  }
0xc3: {  	(tm) =	ssettm $0x7FFFFFFF  }
tec
execute0_lowered:
.L_overlay_start_1:
0x0: {  	(tag) =	ssettag $0x1  }
0x1: {  	s7 =	rddreg [dreg:$0x0]  }
0x2: {  	s8 =	rddreg [dreg:$0x1];
	s0 =	srdreg.scid  }
0x3: {  	s2 =	rddreg [dreg:$0x2];
	s1 =	stileid.u32  }
0x4: {  	s3 =	simm.s32 $0x0;
	s15 =	simm.s32 $0x50;
	s16 =	simm.s32 $0x2000  }
0x5: {  	s17 =	simm.s32 $0x1080;
	s18 =	simm.s32 $0x4800;
	s19 =	simm.s32 $0x1  }
0x6: {  	s20 =	simm.s32 $0x2;
	s21 =	simm.s32 $0xB00;
	s22 =	simm.s32 $0x1C00  }
0x7: {  	s23 =	simm.s32 $0xB80;
	s24 =	simm.s32 $0xC00;
	s6 =	smul.u32 $0x1F400, s1  }
0x8: {  	s9 =	sand.u32 $0x1, s0;
	s0 =	rddreg [dreg:$0x3];
	s11 =	smul.u32 $0x7D000, s1  }
0x9: {  	[smem:$0x7FF] =	sst s3;
	s4 =	sadd.s32 $0x75400, s7;
	s13 =	smul.u32 $0x3E80, s1  }
0xa: {  	p0 =	sgt.u32 s1, $0x9;
	s5 =	smul.u32 $0x138800, s9;
	s30 =	ssub.s32 $0x2, s9  }
0xb: {  	_ =	strace $0x8000004A;
	s9 =	sshll.u32 s9, $0x4;
	s12 =	sshrl.u32 s30, $0x1  }
0xc: {  	s9 =	sor.u32 s1, s9;
	s31 =	sshrl.u32 s11, $0x2;
	s11 =	sshll.u32 @!p0 s1, $0x6  }
0xd: {  	s10 =	sadd.s32 s6, s5;
	s5 =	sadd.s32 $0x61200, s7;
	s6 =	sadd.s32 $0x2A00, s7  }
0xe: {  	s12 =	ssub.s32 s30, s12;
	s14 =	sadd.s32 s31, s2;
	s10 =	sshrl.u32 s10, $0x3  }
0xf: {  	s11 =	sor.u32 @!p0 $0x1C03, s11;
	s10 =	sadd.s32 s10, s7;
	s7 =	sadd.s32 s8, s13  }
0x10: {  	s8 =	smul.u32 $0x5000, s9;
	s13 =	simm.s32 $0x3;
	s9 =	sadd.s32 $0xB0600, s10  }
0x11: {  	s10 =	smax.u32 s12, $0x1;
	s12 =	sshrl.u32 @!p0 s14, $0x3;
	s14 =	simm.s32 $0x1000  }
.LBB2_1:
0x12: {  	[spmem:s12], [sflag:s11] =	dma.local @!p0 [hbm:s7], $0x3E80  }
0x13: {  	s25 =	simm.s32 @!p0 $0x3  }
0x14: {  	_ =	swait.ge @!p0 [sflag:s25], $0x3E80  }
0x15: {  	[sflag:s25] =	ssyncset.done @!p0 $0x0  }
0x16: {  	[sflag:s25] =	ssyncadd.s32 @!p0 $0xFFFFC180  }
0x17: {  	s25 =	simm.s32 $0x0;
	[bflag:$0x0] =	sbarrier.arrive $0xFFFF  }
.LBB2_2:
0x18: {  	s26 =	sshll.u32 s25, $0xC  }
0x19: {  	s26 =	sadd.s32 s8, s26  }
0x1a: {  	s26 =	sshrl.u32 s26, $0x3  }
0x1b: {  	s29 =	simm.s32 $0x0;
	s28 =	sadd.s32 s4, s26  }
0x1c: {  	[tilespmem:s29], [sflag:$0x3] =	stream.linear.gather [hbm4b:s28+s29], $0xC80, $0x38;
	[tilespmem:$0x1A880] =	vst v63  }
0x1d: {  	_ =	swait.ge [sflag:s13], $0xC80  }
0x1e: {  	[sflag:s13] =	ssyncset.done $0x0  }
0x1f: {  	s26 =	sadd.s32 s5, s26;
	[sflag:s13] =	ssyncadd.s32 $0xFFFFF380  }
0x20: {  	[tilespmem:s14], [sflag:$0x3] =	stream.linear.gather [hbm4b:s26+s29], $0xC80, $0x38;
	[tilespmem:$0x1A880] =	vst v63  }
0x21: {  	_ =	swait.ge [sflag:s13], $0xC80  }
0x22: {  	[sflag:s13] =	ssyncset.done $0x0  }
0x23: {  	[sflag:s13] =	ssyncadd.s32 $0xFFFFF380  }
0x24: {  	[tilespmem:s16], [sflag:$0x1] =	stream.indirect.gather [hbm4b:s6+s15], $0x80, s14, s15, $0xb8;
	[tilespmem:$0x1A880] =	vst v63  }
0x25: {  	_ = 	snop  }
0x26: {  	[tilespmem:s18], [sflag:$0x2] =	stream.indirect.gather [hbm4b:s6+s15], $0x80, s17, s15, $0xb8;
	[tilespmem:$0x1A880] =	vst v63  }
0x27: {  	_ =	swait.ge [sflag:s19], $0x2800  }
0x28: {  	[sflag:s19] =	ssyncset.done $0x0  }
0x29: {  	s29 =	simm.s32 $0x0;
	[sflag:s19] =	ssyncadd.s32 $0xFFFFD800  }
0x2a: {  	[spmem:s2] =	stream.indirect.scatter.add.f32 [tilespmem:s16], [sflag:$0x3], $0x80, s29, s15, $0xb8;
	[tilespmem:$0x1A880] =	vst v63  }
0x2b: {  	_ =	swait.ge [sflag:s13], $0x2800  }
0x2c: {  	[sflag:s13] =	ssyncset.done $0x0  }
0x2d: {  	s30 =	simm.s32 $0x1100;
	[sflag:s13] =	ssyncadd.s32 $0xFFFFD800  }
0x2e: {  	[tilespmem:s16], [sflag:$0x1] =	stream.indirect.gather [hbm4b:s6+s15], $0x80, s30, s15, $0xb8;
	[tilespmem:$0x1A880] =	vst v63  }
0x2f: {  	_ =	swait.ge [sflag:s20], $0x2800  }
0x30: {  	[sflag:s20] =	ssyncset.done $0x0  }
0x31: {  	s31 =	simm.s32 $0x80;
	[sflag:s20] =	ssyncadd.s32 $0xFFFFD800  }
0x32: {  	[spmem:s2] =	stream.indirect.scatter.add.f32 [tilespmem:s18], [sflag:$0x3], $0x80, s31, s15, $0xb8;
	[tilespmem:$0x1A880] =	vst v63  }
0x33: {  	_ =	swait.ge [sflag:s13], $0x2800  }
0x34: {  	[sflag:s13] =	ssyncset.done $0x0  }
0x35: {  	s28 =	simm.s32 $0x1180;
	s26 =	simm.s32 $0x400;
	[sflag:s13] =	ssyncadd.s32 $0xFFFFD800  }
.LBB2_3:
0x36: {  	[tilespmem:s18], [sflag:$0x2] =	stream.indirect.gather [hbm4b:s6+s15], $0x80, s28, s15, $0xb8;
	[tilespmem:$0x1A880] =	vst v63  }
0x37: {  	s28 =	smov.u32 s26  }
0x38: {  	p1 =	sne.s32 s26, $0x2800;
	s26 =	sadd.s32 $0x400, s26;
	_ =	swait.ge [sflag:s19], $0x2800  }
0x39: {  	[sflag:s19] =	ssyncset.done $0x0  }
0x3a: {  	s28 =	sshra.s32 s28, $0x2;
	[sflag:s19] =	ssyncadd.s32 $0xFFFFD800  }
0x3b: {  	[spmem:s2] =	stream.indirect.scatter.add.f32 [tilespmem:s16], [sflag:$0x3], $0x80, s28, s15, $0xb8;
	[tilespmem:$0x1A880] =	vst v63  }
0x3c: {  	_ =	swait.ge [sflag:s13], $0x2800  }
0x3d: {  	[sflag:s13] =	ssyncset.done $0x0  }
0x3e: {  	s29 =	sadd.s32 $0x1100, s28;
	[sflag:s13] =	ssyncadd.s32 $0xFFFFD800  }
0x3f: {  	[tilespmem:s16], [sflag:$0x1] =	stream.indirect.gather [hbm4b:s6+s15], $0x80, s29, s15, $0xb8;
	[tilespmem:$0x1A880] =	vst v63  }
0x40: {  	_ =	swait.ge [sflag:s20], $0x2800  }
0x41: {  	[sflag:s20] =	ssyncset.done $0x0  }
.Ltmp0:
0x42: {  	s29 =	sadd.s32 $0x80, s28;
	[sflag:s20] =	ssyncadd.s32 $0xFFFFD800;
	(pc) =	sbr.rel @p1 .LBB2_3-.Ltmp0, $4  }
0x43: {  	[spmem:s2] =	stream.indirect.scatter.add.f32 [tilespmem:s18], [sflag:$0x3], $0x80, s29, s15, $0xb8;
	[tilespmem:$0x1A880] =	vst v63  }
0x44: {  	_ =	swait.ge [sflag:s13], $0x2800  }
0x45: {  	[sflag:s13] =	ssyncset.done $0x0  }
0x46: {  	s28 =	sadd.s32 $0x1180, s28;
	[sflag:s13] =	ssyncadd.s32 $0xFFFFD800  }
0x47: {  	[tilespmem:s18], [sflag:$0x2] =	stream.indirect.gather [hbm4b:s6+s15], $0x80, s28, s15, $0xb8;
	[tilespmem:$0x1A880] =	vst v63  }
0x48: {  	_ =	swait.ge [sflag:s19], $0x2800  }
0x49: {  	[sflag:s19] =	ssyncset.done $0x0  }
0x4a: {  	[sflag:s19] =	ssyncadd.s32 $0xFFFFD800  }
0x4b: {  	[spmem:s2] =	stream.indirect.scatter.add.f32 [tilespmem:s16], [sflag:$0x3], $0x80, s21, s15, $0xb8;
	[tilespmem:$0x1A880] =	vst v63  }
0x4c: {  	_ =	swait.ge [sflag:s13], $0x2800  }
0x4d: {  	[sflag:s13] =	ssyncset.done $0x0  }
0x4e: {  	[sflag:s13] =	ssyncadd.s32 $0xFFFFD800  }
0x4f: {  	[tilespmem:s16], [sflag:$0x1] =	stream.indirect.gather [hbm4b:s6+s15], $0x80, s22, s15, $0xb8;
	[tilespmem:$0x1A880] =	vst v63  }
0x50: {  	_ =	swait.ge [sflag:s20], $0x2800  }
0x51: {  	[sflag:s20] =	ssyncset.done $0x0  }
0x52: {  	[sflag:s20] =	ssyncadd.s32 $0xFFFFD800  }
0x53: {  	[spmem:s2] =	stream.indirect.scatter.add.f32 [tilespmem:s18], [sflag:$0x3], $0x80, s23, s15, $0xb8;
	[tilespmem:$0x1A880] =	vst v63  }
0x54: {  	_ =	swait.ge [sflag:s13], $0x2800  }
0x55: {  	[sflag:s13] =	ssyncset.done $0x0  }
0x56: {  	[sflag:s13] =	ssyncadd.s32 $0xFFFFD800  }
0x57: {  	s25 =	sadd.s32 $0x1, s25;
	_ =	swait.ge [sflag:s19], $0x2800  }
0x58: {  	p1 =	sne.s32 s25, $0x5;
	[sflag:s19] =	ssyncset.done $0x0  }
.Ltmp1:
0x59: {  	[sflag:s19] =	ssyncadd.s32 $0xFFFFD800;
	(pc) =	sbr.rel @p1 .LBB2_2-.Ltmp1, $4  }
0x5a: {  	[spmem:s2] =	stream.indirect.scatter.add.f32 [tilespmem:s16], [sflag:$0x3], $0x80, s24, s15, $0xb8;
	[tilespmem:$0x1A880] =	vst v63  }
0x5b: {  	_ =	swait.ge [sflag:s13], $0x2800  }
0x5c: {  	[sflag:s13] =	ssyncset.done $0x0  }
0x5d: {  	[sflag:s13] =	ssyncadd.s32 $0xFFFFD800  }
0x5e: {  	s3 =	sadd.s32 $0x1, s3  }
0x5f: {  	p1 =	sne.s32 s3, s10  }
.Ltmp2:
0x60: {  	[bflag:$0x0] =	sbarrier.arrive $0xFFFF;
	s25 =	simm.s32 @!p0 $0x3;
	(pc) =	sbr.rel @p1 .LBB2_1-.Ltmp2, $4  }
0x61: {  	[hbm:s9], [sflag:s11] =	dma.local @!p0 [spmem:s12], $0x3E80  }
0x62: {  	_ =	swait.ge @!p0 [sflag:s25], $0x3E80  }
0x63: {  	[sflag:s25] =	ssyncset.done @!p0 $0x0  }
0x64: {  	[sflag:s25] =	ssyncadd.s32 @!p0 $0xFFFFC180  }
0x65: {  	_ =	sfence.sel $0x180000  }
0x66: {  	[bflag:$0x0] =	sbarrier.arrive $0xFFFF  }
0x67: {  	p0 =	sne.s32 s1, $0x0;
	_ =	strace $0x9000004A  }
0x68: {  	s0 =	sadd.s32 @!p0 $0x100000, s0;
	[bflag:$0x2] =	sbarrier.arrive $0xFFFF  }
0x69: {  	[sflag:s0] =	ssyncadd.tile.s32 @!p0 $0x1;
	_ =	shalt  }
.Lfunc_end2:
_tile_overlayer_lowered:
.L_overlay_start_2:
0x6a: {  	(tag) =	ssettag $0x2  }
0x6b: {  	s0 =	rddreg [dreg:$0x0];
	s2 =	stileid.u32  }
0x6c: {  	s1 =	rddreg [dreg:$0x1];
	p0 =	sne.s32 s2, $0x0  }
0x6d: {  	s3 =	rddreg [dreg:$0x2];
	[bflag:$0x3] =	sbarrier.arrive $0xFFFF;
	s2 =	simm.s32 @!p0 $0x1C03  }
0x6e: {  	[timem:s3], [sflag:s2] =	dma.local @!p0 [hbm:s0], s1  }
0x6f: {  	s0 =	simm.s32 @!p0 $0x3  }
0x70: {  	_ =	swait.ge @!p0 [sflag:s0], s1  }
0x71: {  	s1 =	ssub.s32 @!p0 $0x0, s1;
	[sflag:s0] =	ssyncset.done @!p0 $0x0  }
0x72: {  	[sflag:s0] =	ssyncadd.s32 @!p0 s1  }
0x73: {  	[bflag:$0x3] =	sbarrier.arrive $0xFFFF  }
0x74: {  	_ =	shalt  }

// kernel: kernel.14.cloned.1.call-start
scs
__scs_entry_jumppad:
0x0: {  	(pc) =	sbr.rel $0x88, $3  }
0x1: {  	(tag) =	ssettag $0x0;
	lr =	simm.s32 $0x1  }
0x2: {  	[smem:$0x3F99] =	sst lr;
	_ =	strace $0xD0000000  }
0x3: {  	_ = 	snop  }
0x4: {  	_ = 	snop  }
0x5: {  	_ = 	snop  }
0x6: {  	_ = 	snop  }
0x7: {  	_ = 	snop  }
__scs_overlays_trampoline_lowered:
0x8: {  	[smem:$0x3FA8] =	sst s0  }
0x9: {  	[smem:$0x3FA9] =	sst s1  }
0xa: {  	[smem:$0x3FAA] =	sst s2  }
0xb: {  	[smem:$0x3FAB] =	sst s3  }
0xc: {  	[smem:$0x3FAC] =	sst s4  }
0xd: {  	[smem:$0x3FAD] =	sst s5  }
0xe: {  	[smem:$0x3FAE] =	sst s6  }
0xf: {  	[smem:$0x3FAF] =	sst s7  }
0x10: {  	[smem:$0x3FB0] =	sst s8  }
0x11: {  	[smem:$0x3FB1] =	sst s9;
	s0 =	simm.s32 @!p0 $0x0  }
0x12: {  	s1 =	sld [smem:$0x3F97];
	s0 =	simm.s32 @p0 $0x1  }
0x13: {  	[smem:$0x3FB2] =	sst s0;
	s0 =	simm.s32 @!p1 $0x0  }
0x14: {  	s2 =	sld [smem:$0x3F96];
	s0 =	simm.s32 @p1 $0x1  }
0x15: {  	[smem:$0x3FB3] =	sst s0;
	s0 =	simm.s32 @!p2 $0x0  }
0x16: {  	s3 =	sld [smem:$0x3FDB];
	s0 =	simm.s32 @p2 $0x1  }
0x17: {  	s4 =	simm.s32 $0x1BF5;
	[smem:$0x3FB5] =	sst s0  }
0x18: {  	s0 =	sld [smem:$0x3F98];
	_ =	swait.ge [sflag:s4], $0x0  }
0x19: {  	s7 =	sld [smem:$0x3F99]  }
0x1a: {  	s8 =	sadd.s32 $0xFFFFE003, lr  }
0x1b: {  	s9 =	sadd.s32 $0xFFFFFEF7, lr;
	s5 =	simm.s32 $0xFFFFFFFF;
	p2 =	slt.u32 s8, $0xFFFFF086  }
0x1c: {  	p1 =	slt.u32 s9, $0xF7A;
	s5 =	simm.s32 @!p2 $0x0  }
0x1d: {  	s5 =	simm.s32 @p1 $0x1;
	p0 =	seq.s32 s7, s2  }
0x1e: {  	s7 =	smul.u32 @!p0 $0xF7A, s2;
	p2 =	seq.s32 @!p0 s5, $0x0  }
0x1f: {  	s9 =	smul.u32 $0xF7A, s1;
	s8 =	simm.s32 @!p0 $0x1BF5;
	p2 =	por !p2, p0  }
0x20: {  	[sflag:s8] =	ssyncset.s32 @!p0 $0xFFFFF086;
	s6 =	sadd.s32 @!p0 s3, s7;
	s7 =	simm.s32 @!p0 $0x108  }
0x21: {  	s3 =	sadd.s32 s3, s9;
	s6 =	sadd.s32 @!p0 $0x88, s6;
	s7 =	simm.s32 @p2 $0x1082  }
0x22: {  	[simem:s7], [sflag:s8] =	dma.local @!p0 [hbm:s6], $0xF7A  }
0x23: {  	s9 =	sor.u32 $0xD0000000, s2;
	s6 =	simm.s32 $0x108;
	_ =	swait.ge @!p0 [sflag:s8], $0x0  }
0x24: {  	s3 =	sadd.s32 $0x88, s3;
	s6 =	simm.s32 @!p1 $0x1082;
	[sflag:s4] =	ssyncset.s32 $0xFFFFF086  }
0x25: {  	[simem:s6], [sflag:s4] =	dma.local [hbm:s3], $0xF7A  }
0x26: {  	[smem:$0x3F99] =	sst s1;
	(tag) =	ssettag s2;
	_ =	strace s9  }
0x27: {  	s1 =	sld [smem:$0x3FA9]  }
0x28: {  	s2 =	sld [smem:$0x3FAA]  }
0x29: {  	s4 =	sld [smem:$0x3FAC]  }
0x2a: {  	p0 =	seq.s32 s5, $0x0;
	s5 =	sld [smem:$0x3FAD]  }
0x2b: {  	s6 =	sld [smem:$0x3FAE]  }
0x2c: {  	s7 =	sld [smem:$0x3FAF]  }
0x2d: {  	s3 =	simm.s32 $0x108;
	s8 =	sld [smem:$0x3FB0]  }
0x2e: {  	s3 =	simm.s32 @!p0 $0x1082;
	s9 =	sld [smem:$0x3FB1]  }
0x2f: {  	lr =	sadd.s32 s0, s3;
	s0 =	sld [smem:$0x3FA8]  }
0x30: {  	s3 =	sld [smem:$0x3FAB]  }
0x31: {  	[smem:$0x3FB4] =	sst s10  }
0x32: {  	s10 =	sld [smem:$0x3FB2];
	_ =	sdelay $0x3  }
0x33: {  	p0 =	seq.s32 s10, $0x1;
	s10 =	sld [smem:$0x3FB4];
	_ =	sdelay $0x3  }
0x34: {  	[smem:$0x3FB4] =	sst s10  }
0x35: {  	s10 =	sld [smem:$0x3FB3];
	_ =	sdelay $0x3  }
0x36: {  	p1 =	seq.s32 s10, $0x1;
	s10 =	sld [smem:$0x3FB4];
	_ =	sdelay $0x3  }
0x37: {  	[smem:$0x3FB4] =	sst s10  }
0x38: {  	s10 =	sld [smem:$0x3FB5]  }
0x39: {  	_ = 	snop;
	(pc) =	sbr.ind lr, $3  }
0x3a: {  	_ = 	snop  }
0x3b: {  	_ = 	snop  }
0x3c: {  	p2 =	seq.s32 s10, $0x1;
	s10 =	sld [smem:$0x3FB4]  }
0x3d: {  	_ =	shalt  }
0x3e: {  	_ =	shalt  }
0x3f: {  	_ =	shalt  }
0x40: {  	_ =	shalt  }
0x41: {  	_ =	shalt  }
0x42: {  	_ =	shalt  }
0x43: {  	_ =	shalt  }
0x44: {  	_ =	shalt  }
0x45: {  	_ =	shalt  }
0x46: {  	_ =	shalt  }
0x47: {  	_ =	shalt  }
0x48: {  	_ =	shalt  }
0x49: {  	_ =	shalt  }
0x4a: {  	_ =	shalt  }
0x4b: {  	_ =	shalt  }
0x4c: {  	_ =	shalt  }
0x4d: {  	_ =	shalt  }
0x4e: {  	_ =	shalt  }
0x4f: {  	_ =	shalt  }
0x50: {  	_ =	shalt  }
0x51: {  	_ =	shalt  }
0x52: {  	_ =	shalt  }
0x53: {  	_ =	shalt  }
0x54: {  	_ =	shalt  }
0x55: {  	_ =	shalt  }
0x56: {  	_ =	shalt  }
0x57: {  	_ =	shalt  }
0x58: {  	_ =	shalt  }
0x59: {  	_ =	shalt  }
0x5a: {  	_ =	shalt  }
0x5b: {  	_ =	shalt  }
0x5c: {  	_ =	shalt  }
0x5d: {  	_ =	shalt  }
0x5e: {  	_ =	shalt  }
0x5f: {  	_ =	shalt  }
0x60: {  	_ =	shalt  }
0x61: {  	_ =	shalt  }
0x62: {  	_ =	shalt  }
0x63: {  	_ =	shalt  }
0x64: {  	_ =	shalt  }
0x65: {  	_ =	shalt  }
0x66: {  	_ =	shalt  }
0x67: {  	_ =	shalt  }
0x68: {  	_ =	shalt  }
0x69: {  	_ =	shalt  }
0x6a: {  	_ =	shalt  }
0x6b: {  	_ =	shalt  }
0x6c: {  	_ =	shalt  }
0x6d: {  	_ =	shalt  }
0x6e: {  	_ =	shalt  }
0x6f: {  	_ =	shalt  }
0x70: {  	_ =	shalt  }
0x71: {  	_ =	shalt  }
0x72: {  	_ =	shalt  }
0x73: {  	_ =	shalt  }
0x74: {  	_ =	shalt  }
0x75: {  	_ =	shalt  }
0x76: {  	_ =	shalt  }
0x77: {  	_ =	shalt  }
0x78: {  	_ =	shalt  }
0x79: {  	_ =	shalt  }
0x7a: {  	_ =	shalt  }
0x7b: {  	_ =	shalt  }
0x7c: {  	_ =	shalt  }
0x7d: {  	_ =	shalt  }
0x7e: {  	_ =	shalt  }
0x7f: {  	_ =	shalt  }
0x80: {  	_ =	shalt  }
0x81: {  	_ =	shalt  }
0x82: {  	_ =	shalt  }
0x83: {  	_ =	shalt  }
0x84: {  	_ =	shalt  }
0x85: {  	_ =	shalt  }
0x86: {  	_ =	shalt  }
0x87: {  	_ =	shalt  }
.Lfunc_end0:
.L_simem_size_0:
called_computation.2_lowered:
.L_overlay_start_0:
0x88: {  	s2 =	sld [smem:$0x3FD9]  }
0x89: {  	s3 =	sld [smem:$0x3FFE];
	_ =	sdelay $0x1  }
0x8a: {  	s1 =	srdreg.scid  }
0x8b: {  	s0 =	sand.u32 $0x1, s1  }
0x8c: {  	s17 =	sshll.u32 s0, $0xA;
	s2 =	sadd.s32 s3, s2  }
0x8d: {  	s2 =	sadd.s32 s2, s17  }
0x8e: {  	[smem:$0x3FC0] =	sst s2  }
0x8f: {  	_ = 	snop  }
0x90: {  	s2 =	sld [smem:$0x3FD0];
	(tm) =	ssettm $0x1  }
0x91: {  	s18 =	sld [smem:$0x3FFB];
	_ =	sdelay $0x3  }
0x92: {  	_ =	strace s18  }
0x93: {  	s3 =	sld [smem:$0x3FFC];
	_ =	sdelay $0x3  }
0x94: {  	_ =	strace s3  }
0x95: {  	s3 =	sld [smem:$0x3FFD];
	_ =	sdelay $0x3  }
0x96: {  	_ =	strace s3  }
0x97: {  	_ =	strace $0x8FFFFFFF  }
0x98: {  	s19 =	sld [smem:$0x3FDB];
	_ =	sdelay $0x1  }
0x99: {  	s4 =	simm.s32 $_scs_section_size  }
0x9a: {  	s5 =	simm.s32 $_size__tile_overlayer_lowered;
	s6 =	simm.s32 $_tile_overlayer_lowered  }
0x9b: {  	s22 =	simm.s32 $0x1BFF;
	s21 =	sshll.u32 s6, $0x1;
	s3 =	sadd.s32 s4, s19  }
0x9c: {  	s7 =	simm.s32 $0x0;
	s20 =	sshll.u32 s5, $0x1;
	s5 =	sadd.s32 s21, s3  }
0x9d: {  	[timem:s7], [sflag:s22] =	dma.local [hbm:s5], s20  }
0x9e: {  	_ =	swait.ge [sflag:s22], s20  }
0x9f: {  	s4 =	ssub.s32 $0x0, s20;
	[sflag:s22] =	ssyncset.done $0x0  }
0xa0: {  	[sflag:s22] =	ssyncadd.s32 s4;
	_ =	sdelay $0x1  }
0xa1: {  	s23 =	simm.s32 $0x1B8B  }
0xa2: {  	_ =	swait.ge [sflag:s23], $0x1  }
0xa3: {  	[sflag:s23] =	ssyncset.done $0x0  }
0xa4: {  	s25 =	simm.s32 $0x1B8E;
	s24 =	sld [smem:$0x3FFE];
	[sflag:s23] =	ssyncadd.s32 $0xFFFFFFFF  }
0xa5: {  	s26 =	simm.s32 $execute0_lowered;
	[smem:$0x3FD2] =	sst s25  }
0xa6: {  	s5 =	sshll.u32 s26, $0x1;
	_ =	strace $0x8000004C;
	[dreg:$0x1] =	wrdreg $0xFFFFFFFF  }
0xa7: {  	s28 =	simm.s32 $_size_execute0_lowered;
	s3 =	sadd.s32 s3, s5;
	[dreg:$0x0] =	wrdreg $0x0  }
0xa8: {  	s5 =	sshll.u32 s28, $0x1;
	[dreg:$0x2] =	wrdreg s3  }
0xa9: {  	[dreg:$0x3] =	wrdreg s5  }
0xaa: {  	[dreg:$0x4] =	wrdreg $0xC0  }
0xab: {  	_ =	task [dreg:s7], $0x5FFFF  }
0xac: {  	[dreg:$0x1] =	wrdreg $0xFFFFFFFF  }
0xad: {  	[dreg:$0x0] =	wrdreg $0x60  }
0xae: {  	[dreg:$0x2] =	wrdreg s24  }
0xaf: {  	[dreg:$0x3] =	wrdreg s2  }
0xb0: {  	[dreg:$0x4] =	wrdreg $0x70000  }
0xb1: {  	[dreg:$0x5] =	wrdreg $0x9  }
0xb2: {  	_ =	task.clear_ibuf [dreg:s7], $0x6FFFF;
	_ =	strace $0x9000004C  }
0xb3: {  	s29 =	simm.s32 $0x9;
	_ =	strace $0x8000004E  }
0xb4: {  	_ =	swait.ge [sflag:s29], $0x1  }
0xb5: {  	[sflag:s29] =	ssyncadd.s32 $0xFFFFFFFF  }
0xb6: {  	_ =	strace $0x9000004E  }
0xb7: {  	_ =	sfence  }
0xb8: {  	s30 =	sld [smem:$0x0];
	_ =	sdelay $0x2  }
0xb9: {  	s31 =	sshll.u32 s1, $0xD;
	s1 =	sshrl.u32 s1, $0x2  }
0xba: {  	s3 =	sand.u32 $0x4000, s31;
	s1 =	sadd.s32 s1, s30  }
0xbb: {  	s0 =	sor.u32 s3, s0;
	s1 =	sshll.u32 s1, $0x11  }
0xbc: {  	s0 =	sor.u32 s1, s0  }
0xbd: {  	s0 =	sadd.s32 $0x8F2B, s0  }
0xbe: {  	[sflag:s0] =	ssyncadd.remote.s32 $0x1  }
0xbf: {  	_ =	sfence.sel $0xFFFF  }
0xc0: {  	[dreg:$0x0] =	wrdreg $0xFFFFFFFF;
	(pc) =	sbr.abs _section_cstart, $3  }
0xc1: {  	[dreg:$0x1] =	wrdreg $0xFFFFFFFF  }
0xc2: {  	_ =	task.clear_ibuf [dreg:s7], $0x2FFFF;
	_ =	strace $0x9FFFFFFF  }
0xc3: {  	(tm) =	ssettm $0x7FFFFFFF  }
tec
execute0_lowered:
.L_overlay_start_1:
0x0: {  	(tag) =	ssettag $0x1  }
0x1: {  	s7 =	rddreg [dreg:$0x0]  }
0x2: {  	s8 =	rddreg [dreg:$0x1];
	s0 =	srdreg.scid  }
0x3: {  	s2 =	rddreg [dreg:$0x2];
	s1 =	stileid.u32  }
0x4: {  	s3 =	simm.s32 $0x0;
	s15 =	simm.s32 $0x50;
	s16 =	simm.s32 $0x2000  }
0x5: {  	s17 =	simm.s32 $0x1080;
	s18 =	simm.s32 $0x4800;
	s19 =	simm.s32 $0x1  }
0x6: {  	s20 =	simm.s32 $0x2;
	s21 =	simm.s32 $0xB00;
	s22 =	simm.s32 $0x1C00  }
0x7: {  	s23 =	simm.s32 $0xB80;
	s24 =	simm.s32 $0xC00;
	s6 =	smul.u32 $0x1F400, s1  }
0x8: {  	s9 =	sand.u32 $0x1, s0;
	s0 =	rddreg [dreg:$0x3];
	s11 =	smul.u32 $0x7D000, s1  }
0x9: {  	[smem:$0x7FF] =	sst s3;
	s4 =	sadd.s32 $0x75400, s7;
	s13 =	smul.u32 $0x3E80, s1  }
0xa: {  	p0 =	sgt.u32 s1, $0x9;
	s5 =	smul.u32 $0x138800, s9;
	s30 =	ssub.s32 $0x2, s9  }
0xb: {  	_ =	strace $0x8000004D;
	s9 =	sshll.u32 s9, $0x4;
	s12 =	sshrl.u32 s30, $0x1  }
0xc: {  	s9 =	sor.u32 s1, s9;
	s31 =	sshrl.u32 s11, $0x2;
	s11 =	sshll.u32 @!p0 s1, $0x6  }
0xd: {  	s10 =	sadd.s32 s6, s5;
	s5 =	sadd.s32 $0x61200, s7;
	s6 =	sadd.s32 $0x2A00, s7  }
0xe: {  	s12 =	ssub.s32 s30, s12;
	s14 =	sadd.s32 s31, s2;
	s10 =	sshrl.u32 s10, $0x3  }
0xf: {  	s11 =	sor.u32 @!p0 $0x1C03, s11;
	s10 =	sadd.s32 s10, s7;
	s7 =	sadd.s32 s8, s13  }
0x10: {  	s8 =	smul.u32 $0x5000, s9;
	s13 =	simm.s32 $0x3;
	s9 =	sadd.s32 $0x89400, s10  }
0x11: {  	s10 =	smax.u32 s12, $0x1;
	s12 =	sshrl.u32 @!p0 s14, $0x3;
	s14 =	simm.s32 $0x1000  }
.LBB2_1:
0x12: {  	[spmem:s12], [sflag:s11] =	dma.local @!p0 [hbm:s7], $0x3E80  }
0x13: {  	s25 =	simm.s32 @!p0 $0x3  }
0x14: {  	_ =	swait.ge @!p0 [sflag:s25], $0x3E80  }
0x15: {  	[sflag:s25] =	ssyncset.done @!p0 $0x0  }
0x16: {  	[sflag:s25] =	ssyncadd.s32 @!p0 $0xFFFFC180  }
0x17: {  	s25 =	simm.s32 $0x0;
	[bflag:$0x0] =	sbarrier.arrive $0xFFFF  }
.LBB2_2:
0x18: {  	s26 =	sshll.u32 s25, $0xC  }
0x19: {  	s26 =	sadd.s32 s8, s26  }
0x1a: {  	s26 =	sshrl.u32 s26, $0x3  }
0x1b: {  	s29 =	simm.s32 $0x0;
	s28 =	sadd.s32 s4, s26  }
0x1c: {  	[tilespmem:s29], [sflag:$0x3] =	stream.linear.gather [hbm4b:s28+s29], $0xC80, $0x38;
	[tilespmem:$0x1A880] =	vst v63  }
0x1d: {  	_ =	swait.ge [sflag:s13], $0xC80  }
0x1e: {  	[sflag:s13] =	ssyncset.done $0x0  }
0x1f: {  	s26 =	sadd.s32 s5, s26;
	[sflag:s13] =	ssyncadd.s32 $0xFFFFF380  }
0x20: {  	[tilespmem:s14], [sflag:$0x3] =	stream.linear.gather [hbm4b:s26+s29], $0xC80, $0x38;
	[tilespmem:$0x1A880] =	vst v63  }
0x21: {  	_ =	swait.ge [sflag:s13], $0xC80  }
0x22: {  	[sflag:s13] =	ssyncset.done $0x0  }
0x23: {  	[sflag:s13] =	ssyncadd.s32 $0xFFFFF380  }
0x24: {  	[tilespmem:s16], [sflag:$0x1] =	stream.indirect.gather [hbm4b:s6+s15], $0x80, s14, s15, $0xb8;
	[tilespmem:$0x1A880] =	vst v63  }
0x25: {  	_ = 	snop  }
0x26: {  	[tilespmem:s18], [sflag:$0x2] =	stream.indirect.gather [hbm4b:s6+s15], $0x80, s17, s15, $0xb8;
	[tilespmem:$0x1A880] =	vst v63  }
0x27: {  	_ =	swait.ge [sflag:s19], $0x2800  }
0x28: {  	[sflag:s19] =	ssyncset.done $0x0  }
0x29: {  	s29 =	simm.s32 $0x0;
	[sflag:s19] =	ssyncadd.s32 $0xFFFFD800  }
0x2a: {  	[spmem:s2] =	stream.indirect.scatter.add.f32 [tilespmem:s16], [sflag:$0x3], $0x80, s29, s15, $0xb8;
	[tilespmem:$0x1A880] =	vst v63  }
0x2b: {  	_ =	swait.ge [sflag:s13], $0x2800  }
0x2c: {  	[sflag:s13] =	ssyncset.done $0x0  }
0x2d: {  	s30 =	simm.s32 $0x1100;
	[sflag:s13] =	ssyncadd.s32 $0xFFFFD800  }
0x2e: {  	[tilespmem:s16], [sflag:$0x1] =	stream.indirect.gather [hbm4b:s6+s15], $0x80, s30, s15, $0xb8;
	[tilespmem:$0x1A880] =	vst v63  }
0x2f: {  	_ =	swait.ge [sflag:s20], $0x2800  }
0x30: {  	[sflag:s20] =	ssyncset.done $0x0  }
0x31: {  	s31 =	simm.s32 $0x80;
	[sflag:s20] =	ssyncadd.s32 $0xFFFFD800  }
0x32: {  	[spmem:s2] =	stream.indirect.scatter.add.f32 [tilespmem:s18], [sflag:$0x3], $0x80, s31, s15, $0xb8;
	[tilespmem:$0x1A880] =	vst v63  }
0x33: {  	_ =	swait.ge [sflag:s13], $0x2800  }
0x34: {  	[sflag:s13] =	ssyncset.done $0x0  }
0x35: {  	s28 =	simm.s32 $0x1180;
	s26 =	simm.s32 $0x400;
	[sflag:s13] =	ssyncadd.s32 $0xFFFFD800  }
.LBB2_3:
0x36: {  	[tilespmem:s18], [sflag:$0x2] =	stream.indirect.gather [hbm4b:s6+s15], $0x80, s28, s15, $0xb8;
	[tilespmem:$0x1A880] =	vst v63  }
0x37: {  	s28 =	smov.u32 s26  }
0x38: {  	p1 =	sne.s32 s26, $0x2800;
	s26 =	sadd.s32 $0x400, s26;
	_ =	swait.ge [sflag:s19], $0x2800  }
0x39: {  	[sflag:s19] =	ssyncset.done $0x0  }
0x3a: {  	s28 =	sshra.s32 s28, $0x2;
	[sflag:s19] =	ssyncadd.s32 $0xFFFFD800  }
0x3b: {  	[spmem:s2] =	stream.indirect.scatter.add.f32 [tilespmem:s16], [sflag:$0x3], $0x80, s28, s15, $0xb8;
	[tilespmem:$0x1A880] =	vst v63  }
0x3c: {  	_ =	swait.ge [sflag:s13], $0x2800  }
0x3d: {  	[sflag:s13] =	ssyncset.done $0x0  }
0x3e: {  	s29 =	sadd.s32 $0x1100, s28;
	[sflag:s13] =	ssyncadd.s32 $0xFFFFD800  }
0x3f: {  	[tilespmem:s16], [sflag:$0x1] =	stream.indirect.gather [hbm4b:s6+s15], $0x80, s29, s15, $0xb8;
	[tilespmem:$0x1A880] =	vst v63  }
0x40: {  	_ =	swait.ge [sflag:s20], $0x2800  }
0x41: {  	[sflag:s20] =	ssyncset.done $0x0  }
.Ltmp0:
0x42: {  	s29 =	sadd.s32 $0x80, s28;
	[sflag:s20] =	ssyncadd.s32 $0xFFFFD800;
	(pc) =	sbr.rel @p1 .LBB2_3-.Ltmp0, $4  }
0x43: {  	[spmem:s2] =	stream.indirect.scatter.add.f32 [tilespmem:s18], [sflag:$0x3], $0x80, s29, s15, $0xb8;
	[tilespmem:$0x1A880] =	vst v63  }
0x44: {  	_ =	swait.ge [sflag:s13], $0x2800  }
0x45: {  	[sflag:s13] =	ssyncset.done $0x0  }
0x46: {  	s28 =	sadd.s32 $0x1180, s28;
	[sflag:s13] =	ssyncadd.s32 $0xFFFFD800  }
0x47: {  	[tilespmem:s18], [sflag:$0x2] =	stream.indirect.gather [hbm4b:s6+s15], $0x80, s28, s15, $0xb8;
	[tilespmem:$0x1A880] =	vst v63  }
0x48: {  	_ =	swait.ge [sflag:s19], $0x2800  }
0x49: {  	[sflag:s19] =	ssyncset.done $0x0  }
0x4a: {  	[sflag:s19] =	ssyncadd.s32 $0xFFFFD800  }
0x4b: {  	[spmem:s2] =	stream.indirect.scatter.add.f32 [tilespmem:s16], [sflag:$0x3], $0x80, s21, s15, $0xb8;
	[tilespmem:$0x1A880] =	vst v63  }
0x4c: {  	_ =	swait.ge [sflag:s13], $0x2800  }
0x4d: {  	[sflag:s13] =	ssyncset.done $0x0  }
0x4e: {  	[sflag:s13] =	ssyncadd.s32 $0xFFFFD800  }
0x4f: {  	[tilespmem:s16], [sflag:$0x1] =	stream.indirect.gather [hbm4b:s6+s15], $0x80, s22, s15, $0xb8;
	[tilespmem:$0x1A880] =	vst v63  }
0x50: {  	_ =	swait.ge [sflag:s20], $0x2800  }
0x51: {  	[sflag:s20] =	ssyncset.done $0x0  }
0x52: {  	[sflag:s20] =	ssyncadd.s32 $0xFFFFD800  }
0x53: {  	[spmem:s2] =	stream.indirect.scatter.add.f32 [tilespmem:s18], [sflag:$0x3], $0x80, s23, s15, $0xb8;
	[tilespmem:$0x1A880] =	vst v63  }
0x54: {  	_ =	swait.ge [sflag:s13], $0x2800  }
0x55: {  	[sflag:s13] =	ssyncset.done $0x0  }
0x56: {  	[sflag:s13] =	ssyncadd.s32 $0xFFFFD800  }
0x57: {  	s25 =	sadd.s32 $0x1, s25;
	_ =	swait.ge [sflag:s19], $0x2800  }
0x58: {  	p1 =	sne.s32 s25, $0x5;
	[sflag:s19] =	ssyncset.done $0x0  }
.Ltmp1:
0x59: {  	[sflag:s19] =	ssyncadd.s32 $0xFFFFD800;
	(pc) =	sbr.rel @p1 .LBB2_2-.Ltmp1, $4  }
0x5a: {  	[spmem:s2] =	stream.indirect.scatter.add.f32 [tilespmem:s16], [sflag:$0x3], $0x80, s24, s15, $0xb8;
	[tilespmem:$0x1A880] =	vst v63  }
0x5b: {  	_ =	swait.ge [sflag:s13], $0x2800  }
0x5c: {  	[sflag:s13] =	ssyncset.done $0x0  }
0x5d: {  	[sflag:s13] =	ssyncadd.s32 $0xFFFFD800  }
0x5e: {  	s3 =	sadd.s32 $0x1, s3  }
0x5f: {  	p1 =	sne.s32 s3, s10  }
.Ltmp2:
0x60: {  	[bflag:$0x0] =	sbarrier.arrive $0xFFFF;
	s25 =	simm.s32 @!p0 $0x3;
	(pc) =	sbr.rel @p1 .LBB2_1-.Ltmp2, $4  }
0x61: {  	[hbm:s9], [sflag:s11] =	dma.local @!p0 [spmem:s12], $0x3E80  }
0x62: {  	_ =	swait.ge @!p0 [sflag:s25], $0x3E80  }
0x63: {  	[sflag:s25] =	ssyncset.done @!p0 $0x0  }
0x64: {  	[sflag:s25] =	ssyncadd.s32 @!p0 $0xFFFFC180  }
0x65: {  	_ =	sfence.sel $0x180000  }
0x66: {  	[bflag:$0x0] =	sbarrier.arrive $0xFFFF  }
0x67: {  	p0 =	sne.s32 s1, $0x0;
	_ =	strace $0x9000004D  }
0x68: {  	s0 =	sadd.s32 @!p0 $0x100000, s0;
	[bflag:$0x2] =	sbarrier.arrive $0xFFFF  }
0x69: {  	[sflag:s0] =	ssyncadd.tile.s32 @!p0 $0x1;
	_ =	shalt  }
.Lfunc_end2:
_tile_overlayer_lowered:
.L_overlay_start_2:
0x6a: {  	(tag) =	ssettag $0x2  }
0x6b: {  	s0 =	rddreg [dreg:$0x0];
	s2 =	stileid.u32  }
0x6c: {  	s1 =	rddreg [dreg:$0x1];
	p0 =	sne.s32 s2, $0x0  }
0x6d: {  	s3 =	rddreg [dreg:$0x2];
	[bflag:$0x3] =	sbarrier.arrive $0xFFFF;
	s2 =	simm.s32 @!p0 $0x1C03  }
0x6e: {  	[timem:s3], [sflag:s2] =	dma.local @!p0 [hbm:s0], s1  }
0x6f: {  	s0 =	simm.s32 @!p0 $0x3  }
0x70: {  	_ =	swait.ge @!p0 [sflag:s0], s1  }
0x71: {  	s1 =	ssub.s32 @!p0 $0x0, s1;
	[sflag:s0] =	ssyncset.done @!p0 $0x0  }
0x72: {  	[sflag:s0] =	ssyncadd.s32 @!p0 s1  }
0x73: {  	[bflag:$0x3] =	sbarrier.arrive $0xFFFF  }
0x74: {  	_ =	shalt  }

// kernel: kernel.8.cloned.1.call-start
scs
__scs_entry_jumppad:
0x0: {  	(pc) =	sbr.rel $0x88, $3  }
0x1: {  	(tag) =	ssettag $0x0;
	lr =	simm.s32 $0x1  }
0x2: {  	[smem:$0x3F99] =	sst lr;
	_ =	strace $0xD0000000  }
0x3: {  	_ = 	snop  }
0x4: {  	_ = 	snop  }
0x5: {  	_ = 	snop  }
0x6: {  	_ = 	snop  }
0x7: {  	_ = 	snop  }
__scs_overlays_trampoline_lowered:
0x8: {  	[smem:$0x3FA8] =	sst s0  }
0x9: {  	[smem:$0x3FA9] =	sst s1  }
0xa: {  	[smem:$0x3FAA] =	sst s2  }
0xb: {  	[smem:$0x3FAB] =	sst s3  }
0xc: {  	[smem:$0x3FAC] =	sst s4  }
0xd: {  	[smem:$0x3FAD] =	sst s5  }
0xe: {  	[smem:$0x3FAE] =	sst s6  }
0xf: {  	[smem:$0x3FAF] =	sst s7  }
0x10: {  	[smem:$0x3FB0] =	sst s8  }
0x11: {  	[smem:$0x3FB1] =	sst s9;
	s0 =	simm.s32 @!p0 $0x0  }
0x12: {  	s1 =	sld [smem:$0x3F97];
	s0 =	simm.s32 @p0 $0x1  }
0x13: {  	[smem:$0x3FB2] =	sst s0;
	s0 =	simm.s32 @!p1 $0x0  }
0x14: {  	s2 =	sld [smem:$0x3F96];
	s0 =	simm.s32 @p1 $0x1  }
0x15: {  	[smem:$0x3FB3] =	sst s0;
	s0 =	simm.s32 @!p2 $0x0  }
0x16: {  	s3 =	sld [smem:$0x3FDB];
	s0 =	simm.s32 @p2 $0x1  }
0x17: {  	s4 =	simm.s32 $0x1BF5;
	[smem:$0x3FB5] =	sst s0  }
0x18: {  	s0 =	sld [smem:$0x3F98];
	_ =	swait.ge [sflag:s4], $0x0  }
0x19: {  	s7 =	sld [smem:$0x3F99]  }
0x1a: {  	s8 =	sadd.s32 $0xFFFFE003, lr  }
0x1b: {  	s9 =	sadd.s32 $0xFFFFFEF7, lr;
	s5 =	simm.s32 $0xFFFFFFFF;
	p2 =	slt.u32 s8, $0xFFFFF086  }
0x1c: {  	p1 =	slt.u32 s9, $0xF7A;
	s5 =	simm.s32 @!p2 $0x0  }
0x1d: {  	s5 =	simm.s32 @p1 $0x1;
	p0 =	seq.s32 s7, s2  }
0x1e: {  	s7 =	smul.u32 @!p0 $0xF7A, s2;
	p2 =	seq.s32 @!p0 s5, $0x0  }
0x1f: {  	s9 =	smul.u32 $0xF7A, s1;
	s8 =	simm.s32 @!p0 $0x1BF5;
	p2 =	por !p2, p0  }
0x20: {  	[sflag:s8] =	ssyncset.s32 @!p0 $0xFFFFF086;
	s6 =	sadd.s32 @!p0 s3, s7;
	s7 =	simm.s32 @!p0 $0x108  }
0x21: {  	s3 =	sadd.s32 s3, s9;
	s6 =	sadd.s32 @!p0 $0x88, s6;
	s7 =	simm.s32 @p2 $0x1082  }
0x22: {  	[simem:s7], [sflag:s8] =	dma.local @!p0 [hbm:s6], $0xF7A  }
0x23: {  	s9 =	sor.u32 $0xD0000000, s2;
	s6 =	simm.s32 $0x108;
	_ =	swait.ge @!p0 [sflag:s8], $0x0  }
0x24: {  	s3 =	sadd.s32 $0x88, s3;
	s6 =	simm.s32 @!p1 $0x1082;
	[sflag:s4] =	ssyncset.s32 $0xFFFFF086  }
0x25: {  	[simem:s6], [sflag:s4] =	dma.local [hbm:s3], $0xF7A  }
0x26: {  	[smem:$0x3F99] =	sst s1;
	(tag) =	ssettag s2;
	_ =	strace s9  }
0x27: {  	s1 =	sld [smem:$0x3FA9]  }
0x28: {  	s2 =	sld [smem:$0x3FAA]  }
0x29: {  	s4 =	sld [smem:$0x3FAC]  }
0x2a: {  	p0 =	seq.s32 s5, $0x0;
	s5 =	sld [smem:$0x3FAD]  }
0x2b: {  	s6 =	sld [smem:$0x3FAE]  }
0x2c: {  	s7 =	sld [smem:$0x3FAF]  }
0x2d: {  	s3 =	simm.s32 $0x108;
	s8 =	sld [smem:$0x3FB0]  }
0x2e: {  	s3 =	simm.s32 @!p0 $0x1082;
	s9 =	sld [smem:$0x3FB1]  }
0x2f: {  	lr =	sadd.s32 s0, s3;
	s0 =	sld [smem:$0x3FA8]  }
0x30: {  	s3 =	sld [smem:$0x3FAB]  }
0x31: {  	[smem:$0x3FB4] =	sst s10  }
0x32: {  	s10 =	sld [smem:$0x3FB2];
	_ =	sdelay $0x3  }
0x33: {  	p0 =	seq.s32 s10, $0x1;
	s10 =	sld [smem:$0x3FB4];
	_ =	sdelay $0x3  }
0x34: {  	[smem:$0x3FB4] =	sst s10  }
0x35: {  	s10 =	sld [smem:$0x3FB3];
	_ =	sdelay $0x3  }
0x36: {  	p1 =	seq.s32 s10, $0x1;
	s10 =	sld [smem:$0x3FB4];
	_ =	sdelay $0x3  }
0x37: {  	[smem:$0x3FB4] =	sst s10  }
0x38: {  	s10 =	sld [smem:$0x3FB5]  }
0x39: {  	_ = 	snop;
	(pc) =	sbr.ind lr, $3  }
0x3a: {  	_ = 	snop  }
0x3b: {  	_ = 	snop  }
0x3c: {  	p2 =	seq.s32 s10, $0x1;
	s10 =	sld [smem:$0x3FB4]  }
0x3d: {  	_ =	shalt  }
0x3e: {  	_ =	shalt  }
0x3f: {  	_ =	shalt  }
0x40: {  	_ =	shalt  }
0x41: {  	_ =	shalt  }
0x42: {  	_ =	shalt  }
0x43: {  	_ =	shalt  }
0x44: {  	_ =	shalt  }
0x45: {  	_ =	shalt  }
0x46: {  	_ =	shalt  }
0x47: {  	_ =	shalt  }
0x48: {  	_ =	shalt  }
0x49: {  	_ =	shalt  }
0x4a: {  	_ =	shalt  }
0x4b: {  	_ =	shalt  }
0x4c: {  	_ =	shalt  }
0x4d: {  	_ =	shalt  }
0x4e: {  	_ =	shalt  }
0x4f: {  	_ =	shalt  }
0x50: {  	_ =	shalt  }
0x51: {  	_ =	shalt  }
0x52: {  	_ =	shalt  }
0x53: {  	_ =	shalt  }
0x54: {  	_ =	shalt  }
0x55: {  	_ =	shalt  }
0x56: {  	_ =	shalt  }
0x57: {  	_ =	shalt  }
0x58: {  	_ =	shalt  }
0x59: {  	_ =	shalt  }
0x5a: {  	_ =	shalt  }
0x5b: {  	_ =	shalt  }
0x5c: {  	_ =	shalt  }
0x5d: {  	_ =	shalt  }
0x5e: {  	_ =	shalt  }
0x5f: {  	_ =	shalt  }
0x60: {  	_ =	shalt  }
0x61: {  	_ =	shalt  }
0x62: {  	_ =	shalt  }
0x63: {  	_ =	shalt  }
0x64: {  	_ =	shalt  }
0x65: {  	_ =	shalt  }
0x66: {  	_ =	shalt  }
0x67: {  	_ =	shalt  }
0x68: {  	_ =	shalt  }
0x69: {  	_ =	shalt  }
0x6a: {  	_ =	shalt  }
0x6b: {  	_ =	shalt  }
0x6c: {  	_ =	shalt  }
0x6d: {  	_ =	shalt  }
0x6e: {  	_ =	shalt  }
0x6f: {  	_ =	shalt  }
0x70: {  	_ =	shalt  }
0x71: {  	_ =	shalt  }
0x72: {  	_ =	shalt  }
0x73: {  	_ =	shalt  }
0x74: {  	_ =	shalt  }
0x75: {  	_ =	shalt  }
0x76: {  	_ =	shalt  }
0x77: {  	_ =	shalt  }
0x78: {  	_ =	shalt  }
0x79: {  	_ =	shalt  }
0x7a: {  	_ =	shalt  }
0x7b: {  	_ =	shalt  }
0x7c: {  	_ =	shalt  }
0x7d: {  	_ =	shalt  }
0x7e: {  	_ =	shalt  }
0x7f: {  	_ =	shalt  }
0x80: {  	_ =	shalt  }
0x81: {  	_ =	shalt  }
0x82: {  	_ =	shalt  }
0x83: {  	_ =	shalt  }
0x84: {  	_ =	shalt  }
0x85: {  	_ =	shalt  }
0x86: {  	_ =	shalt  }
0x87: {  	_ =	shalt  }
.Lfunc_end0:
.L_simem_size_0:
called_computation_lowered:
.L_overlay_start_0:
0x88: {  	s2 =	sld [smem:$0x3FD9]  }
0x89: {  	s3 =	sld [smem:$0x3FFE];
	_ =	sdelay $0x1  }
0x8a: {  	s1 =	srdreg.scid  }
0x8b: {  	s0 =	sand.u32 $0x1, s1  }
0x8c: {  	s17 =	sshll.u32 s0, $0xA;
	s2 =	sadd.s32 s3, s2  }
0x8d: {  	s2 =	sadd.s32 s2, s17  }
0x8e: {  	[smem:$0x3FC0] =	sst s2  }
0x8f: {  	_ = 	snop  }
0x90: {  	s2 =	sld [smem:$0x3FD0];
	(tm) =	ssettm $0x1  }
0x91: {  	s18 =	sld [smem:$0x3FFB];
	_ =	sdelay $0x3  }
0x92: {  	_ =	strace s18  }
0x93: {  	s3 =	sld [smem:$0x3FFC];
	_ =	sdelay $0x3  }
0x94: {  	_ =	strace s3  }
0x95: {  	s3 =	sld [smem:$0x3FFD];
	_ =	sdelay $0x3  }
0x96: {  	_ =	strace s3  }
0x97: {  	_ =	strace $0x8FFFFFFF  }
0x98: {  	s19 =	sld [smem:$0x3FDB];
	_ =	sdelay $0x1  }
0x99: {  	s4 =	simm.s32 $_scs_section_size  }
0x9a: {  	s5 =	simm.s32 $_size__tile_overlayer_lowered;
	s6 =	simm.s32 $_tile_overlayer_lowered  }
0x9b: {  	s22 =	simm.s32 $0x1BFF;
	s21 =	sshll.u32 s6, $0x1;
	s3 =	sadd.s32 s4, s19  }
0x9c: {  	s7 =	simm.s32 $0x0;
	s20 =	sshll.u32 s5, $0x1;
	s5 =	sadd.s32 s21, s3  }
0x9d: {  	[timem:s7], [sflag:s22] =	dma.local [hbm:s5], s20  }
0x9e: {  	_ =	swait.ge [sflag:s22], s20  }
0x9f: {  	s4 =	ssub.s32 $0x0, s20;
	[sflag:s22] =	ssyncset.done $0x0  }
0xa0: {  	[sflag:s22] =	ssyncadd.s32 s4;
	_ =	sdelay $0x1  }
0xa1: {  	s23 =	simm.s32 $0x1B8B  }
0xa2: {  	_ =	swait.ge [sflag:s23], $0x1  }
0xa3: {  	[sflag:s23] =	ssyncset.done $0x0  }
0xa4: {  	s25 =	simm.s32 $0x1B8E;
	s24 =	sld [smem:$0x3FFE];
	[sflag:s23] =	ssyncadd.s32 $0xFFFFFFFF  }
0xa5: {  	s26 =	simm.s32 $execute0_lowered;
	[smem:$0x3FD2] =	sst s25  }
0xa6: {  	s5 =	sshll.u32 s26, $0x1;
	_ =	strace $0x80000046;
	[dreg:$0x1] =	wrdreg $0xFFFFFFFF  }
0xa7: {  	s28 =	simm.s32 $_size_execute0_lowered;
	s3 =	sadd.s32 s3, s5;
	[dreg:$0x0] =	wrdreg $0x0  }
0xa8: {  	s5 =	sshll.u32 s28, $0x1;
	[dreg:$0x2] =	wrdreg s3  }
0xa9: {  	[dreg:$0x3] =	wrdreg s5  }
0xaa: {  	[dreg:$0x4] =	wrdreg $0xC0  }
0xab: {  	_ =	task [dreg:s7], $0x5FFFF  }
0xac: {  	[dreg:$0x1] =	wrdreg $0xFFFFFFFF  }
0xad: {  	[dreg:$0x0] =	wrdreg $0x60  }
0xae: {  	[dreg:$0x2] =	wrdreg s24  }
0xaf: {  	[dreg:$0x3] =	wrdreg s2  }
0xb0: {  	[dreg:$0x4] =	wrdreg $0x68000  }
0xb1: {  	[dreg:$0x5] =	wrdreg $0x9  }
0xb2: {  	_ =	task.clear_ibuf [dreg:s7], $0x6FFFF;
	_ =	strace $0x90000046  }
0xb3: {  	s29 =	simm.s32 $0x9;
	_ =	strace $0x80000048  }
0xb4: {  	_ =	swait.ge [sflag:s29], $0x1  }
0xb5: {  	[sflag:s29] =	ssyncadd.s32 $0xFFFFFFFF  }
0xb6: {  	_ =	strace $0x90000048  }
0xb7: {  	_ =	sfence  }
0xb8: {  	s30 =	sld [smem:$0x0];
	_ =	sdelay $0x2  }
0xb9: {  	s31 =	sshll.u32 s1, $0xD;
	s1 =	sshrl.u32 s1, $0x2  }
0xba: {  	s3 =	sand.u32 $0x4000, s31;
	s1 =	sadd.s32 s1, s30  }
0xbb: {  	s0 =	sor.u32 s3, s0;
	s1 =	sshll.u32 s1, $0x11  }
0xbc: {  	s0 =	sor.u32 s1, s0  }
0xbd: {  	s0 =	sadd.s32 $0x8F2B, s0  }
0xbe: {  	[sflag:s0] =	ssyncadd.remote.s32 $0x1  }
0xbf: {  	_ =	sfence.sel $0xFFFF  }
0xc0: {  	[dreg:$0x0] =	wrdreg $0xFFFFFFFF;
	(pc) =	sbr.abs _section_cstart, $3  }
0xc1: {  	[dreg:$0x1] =	wrdreg $0xFFFFFFFF  }
0xc2: {  	_ =	task.clear_ibuf [dreg:s7], $0x2FFFF;
	_ =	strace $0x9FFFFFFF  }
0xc3: {  	(tm) =	ssettm $0x7FFFFFFF  }
tec
execute0_lowered:
.L_overlay_start_1:
0x0: {  	(tag) =	ssettag $0x1  }
0x1: {  	s5 =	rddreg [dreg:$0x0]  }
0x2: {  	s6 =	rddreg [dreg:$0x1]  }
0x3: {  	s1 =	rddreg [dreg:$0x2];
	s2 =	srdreg.scid  }
0x4: {  	s0 =	rddreg [dreg:$0x3];
	s3 =	simm.s32 $0x0;
	s13 =	simm.s32 $0x50  }
0x5: {  	s14 =	simm.s32 $0x1;
	s7 =	sand.u32 $0x1, s2;
	s2 =	stileid.u32  }
0x6: {  	s15 =	simm.s32 $0x0;
	[smem:$0x7FF] =	sst s3;
	s8 =	smul.u32 $0x138800, s7  }
0x7: {  	s9 =	smul.u32 $0x1F400, s2;
	_ =	strace $0x80000047;
	s4 =	sshll.u32 s2, $0xB  }
0x8: {  	s28 =	ssub.s32 $0x2, s7;
	s11 =	smul.u32 $0x7D000, s2;
	s7 =	sshll.u32 s7, $0xF  }
0x9: {  	s31 =	smul.u32 $0x3E80, s2;
	p0 =	sgt.u32 s2, $0x9;
	s10 =	sadd.s32 s4, s5  }
0xa: {  	s4 =	sadd.s32 $0x12A00, s5;
	s29 =	sshrl.u32 s28, $0x1;
	s8 =	sadd.s32 s9, s8  }
0xb: {  	s7 =	sadd.s32 s7, s10;
	s30 =	sshrl.u32 s11, $0x2;
	s9 =	ssub.s32 s28, s29  }
0xc: {  	s6 =	sadd.s32 s6, s31;
	s11 =	sshll.u32 @!p0 s2, $0x6;
	s10 =	simm.s32 $0x4000  }
0xd: {  	s8 =	sshrl.u32 s8, $0x3;
	s12 =	sadd.s32 s30, s1;
	s11 =	sor.u32 @!p0 $0x1C02, s11  }
0xe: {  	s8 =	sadd.s32 s8, s5;
	s5 =	sadd.s32 $0x2A00, s7;
	s12 =	sshrl.u32 @!p0 s12, $0x3  }
0xf: {  	s7 =	sadd.s32 $0x13000, s8;
	s8 =	smax.u32 s9, $0x1;
	s9 =	simm.s32 $0x2  }
.LBB2_1:
0x10: {  	[tilespmem:s3], [sflag:$0x2] =	stream.linear.gather [hbm4b:s5+s3], $0x3E80, $0x38;
	[tilespmem:$0x1A080] =	vst v63  }
0x11: {  	_ =	swait.ge [sflag:s9], $0x3E80  }
0x12: {  	[sflag:s9] =	ssyncset.done $0x0  }
0x13: {  	[sflag:s9] =	ssyncadd.s32 $0xFFFFC180  }
0x14: {  	[tilespmem:s10], [sflag:$0x2] =	stream.linear.gather [hbm4b:s4+s3], $0x2800, $0x38;
	[tilespmem:$0x1A080] =	vst v63  }
0x15: {  	_ =	swait.ge [sflag:s9], $0x2800  }
0x16: {  	[sflag:s9] =	ssyncset.done $0x0  }
0x17: {  	s16 =	simm.s32 @!p0 $0x2;
	[sflag:s9] =	ssyncadd.s32 $0xFFFFD800  }
0x18: {  	[spmem:s12], [sflag:s11] =	dma.local @!p0 [hbm:s6], $0x3E80  }
0x19: {  	_ =	swait.ge @!p0 [sflag:s16], $0x3E80  }
0x1a: {  	[sflag:s16] =	ssyncset.done @!p0 $0x0  }
0x1b: {  	[sflag:s16] =	ssyncadd.s32 @!p0 $0xFFFFC180  }
0x1c: {  	s20 =	simm.s32 $0x0;
	[bflag:$0x0] =	sbarrier.arrive $0xFFFF  }
0x1d: {  	[spmem:s1] =	stream.indirect.scatter.add.f32 [tilespmem:s10], [sflag:$0x1], $0x80, s20, s13, $0xb8;
	[tilespmem:$0x1A080] =	vst v63  }
0x1e: {  	s21 =	simm.s32 $0x80  }
0x1f: {  	[spmem:s1] =	stream.indirect.scatter.add.f32 [tilespmem:s10], [sflag:$0x1], $0x80, s21, s13, $0xb8;
	[tilespmem:$0x1A080] =	vst v63  }
0x20: {  	s22 =	simm.s32 $0x100  }
0x21: {  	[spmem:s1] =	stream.indirect.scatter.add.f32 [tilespmem:s10], [sflag:$0x1], $0x80, s22, s13, $0xb8;
	[tilespmem:$0x1A080] =	vst v63  }
0x22: {  	s23 =	simm.s32 $0x180  }
0x23: {  	[spmem:s1] =	stream.indirect.scatter.add.f32 [tilespmem:s10], [sflag:$0x1], $0x80, s23, s13, $0xb8;
	[tilespmem:$0x1A080] =	vst v63  }
0x24: {  	s24 =	simm.s32 $0x200  }
0x25: {  	[spmem:s1] =	stream.indirect.scatter.add.f32 [tilespmem:s10], [sflag:$0x1], $0x80, s24, s13, $0xb8;
	[tilespmem:$0x1A080] =	vst v63  }
0x26: {  	s25 =	simm.s32 $0x280  }
0x27: {  	[spmem:s1] =	stream.indirect.scatter.add.f32 [tilespmem:s10], [sflag:$0x1], $0x80, s25, s13, $0xb8;
	[tilespmem:$0x1A080] =	vst v63  }
0x28: {  	s26 =	simm.s32 $0x300  }
0x29: {  	[spmem:s1] =	stream.indirect.scatter.add.f32 [tilespmem:s10], [sflag:$0x1], $0x80, s26, s13, $0xb8;
	[tilespmem:$0x1A080] =	vst v63  }
0x2a: {  	s28 =	simm.s32 $0x380  }
0x2b: {  	[spmem:s1] =	stream.indirect.scatter.add.f32 [tilespmem:s10], [sflag:$0x1], $0x80, s28, s13, $0xb8;
	[tilespmem:$0x1A080] =	vst v63  }
0x2c: {  	s29 =	simm.s32 $0x400  }
0x2d: {  	[spmem:s1] =	stream.indirect.scatter.add.f32 [tilespmem:s10], [sflag:$0x1], $0x80, s29, s13, $0xb8;
	[tilespmem:$0x1A080] =	vst v63  }
0x2e: {  	s30 =	simm.s32 $0x480  }
0x2f: {  	[spmem:s1] =	stream.indirect.scatter.add.f32 [tilespmem:s10], [sflag:$0x1], $0x80, s30, s13, $0xb8;
	[tilespmem:$0x1A080] =	vst v63  }
0x30: {  	s31 =	simm.s32 $0x500  }
0x31: {  	[spmem:s1] =	stream.indirect.scatter.add.f32 [tilespmem:s10], [sflag:$0x1], $0x80, s31, s13, $0xb8;
	[tilespmem:$0x1A080] =	vst v63  }
0x32: {  	s17 =	simm.s32 $0x580  }
0x33: {  	[spmem:s1] =	stream.indirect.scatter.add.f32 [tilespmem:s10], [sflag:$0x1], $0x80, s17, s13, $0xb8;
	[tilespmem:$0x1A080] =	vst v63  }
0x34: {  	s18 =	simm.s32 $0x600  }
0x35: {  	[spmem:s1] =	stream.indirect.scatter.add.f32 [tilespmem:s10], [sflag:$0x1], $0x80, s18, s13, $0xb8;
	[tilespmem:$0x1A080] =	vst v63  }
0x36: {  	s19 =	simm.s32 $0x680  }
0x37: {  	[spmem:s1] =	stream.indirect.scatter.add.f32 [tilespmem:s10], [sflag:$0x1], $0x80, s19, s13, $0xb8;
	[tilespmem:$0x1A080] =	vst v63  }
0x38: {  	s20 =	simm.s32 $0x700  }
0x39: {  	[spmem:s1] =	stream.indirect.scatter.add.f32 [tilespmem:s10], [sflag:$0x1], $0x80, s20, s13, $0xb8;
	[tilespmem:$0x1A080] =	vst v63  }
0x3a: {  	s21 =	simm.s32 $0x780  }
0x3b: {  	[spmem:s1] =	stream.indirect.scatter.add.f32 [tilespmem:s10], [sflag:$0x1], $0x80, s21, s13, $0xb8;
	[tilespmem:$0x1A080] =	vst v63  }
0x3c: {  	s22 =	simm.s32 $0x800  }
0x3d: {  	[spmem:s1] =	stream.indirect.scatter.add.f32 [tilespmem:s10], [sflag:$0x1], $0x80, s22, s13, $0xb8;
	[tilespmem:$0x1A080] =	vst v63  }
0x3e: {  	s23 =	simm.s32 $0x880  }
0x3f: {  	[spmem:s1] =	stream.indirect.scatter.add.f32 [tilespmem:s10], [sflag:$0x1], $0x80, s23, s13, $0xb8;
	[tilespmem:$0x1A080] =	vst v63  }
0x40: {  	s24 =	simm.s32 $0x900  }
0x41: {  	[spmem:s1] =	stream.indirect.scatter.add.f32 [tilespmem:s10], [sflag:$0x1], $0x80, s24, s13, $0xb8;
	[tilespmem:$0x1A080] =	vst v63  }
0x42: {  	s25 =	simm.s32 $0x980  }
0x43: {  	[spmem:s1] =	stream.indirect.scatter.add.f32 [tilespmem:s10], [sflag:$0x1], $0x80, s25, s13, $0xb8;
	[tilespmem:$0x1A080] =	vst v63  }
0x44: {  	s26 =	simm.s32 $0xA00  }
0x45: {  	[spmem:s1] =	stream.indirect.scatter.add.f32 [tilespmem:s10], [sflag:$0x1], $0x80, s26, s13, $0xb8;
	[tilespmem:$0x1A080] =	vst v63  }
0x46: {  	s28 =	simm.s32 $0xA80  }
0x47: {  	[spmem:s1] =	stream.indirect.scatter.add.f32 [tilespmem:s10], [sflag:$0x1], $0x80, s28, s13, $0xb8;
	[tilespmem:$0x1A080] =	vst v63  }
0x48: {  	s29 =	simm.s32 $0xB00  }
0x49: {  	[spmem:s1] =	stream.indirect.scatter.add.f32 [tilespmem:s10], [sflag:$0x1], $0x80, s29, s13, $0xb8;
	[tilespmem:$0x1A080] =	vst v63  }
0x4a: {  	s30 =	simm.s32 $0xB80  }
0x4b: {  	[spmem:s1] =	stream.indirect.scatter.add.f32 [tilespmem:s10], [sflag:$0x1], $0x80, s30, s13, $0xb8;
	[tilespmem:$0x1A080] =	vst v63  }
0x4c: {  	s31 =	simm.s32 $0xC00  }
0x4d: {  	[spmem:s1] =	stream.indirect.scatter.add.f32 [tilespmem:s10], [sflag:$0x1], $0x80, s31, s13, $0xb8;
	[tilespmem:$0x1A080] =	vst v63  }
0x4e: {  	_ =	swait.ge [sflag:s14], $0x2800  }
0x4f: {  	[sflag:s14] =	ssyncset.done $0x0  }
0x50: {  	[sflag:s14] =	ssyncadd.s32 $0xFFFFD800  }
0x51: {  	_ =	swait.ge [sflag:s14], $0x2800  }
0x52: {  	[sflag:s14] =	ssyncset.done $0x0  }
0x53: {  	[sflag:s14] =	ssyncadd.s32 $0xFFFFD800  }
0x54: {  	_ =	swait.ge [sflag:s14], $0x2800  }
0x55: {  	[sflag:s14] =	ssyncset.done $0x0  }
0x56: {  	[sflag:s14] =	ssyncadd.s32 $0xFFFFD800  }
0x57: {  	_ =	swait.ge [sflag:s14], $0x2800  }
0x58: {  	[sflag:s14] =	ssyncset.done $0x0  }
0x59: {  	[sflag:s14] =	ssyncadd.s32 $0xFFFFD800  }
0x5a: {  	_ =	swait.ge [sflag:s14], $0x2800  }
0x5b: {  	[sflag:s14] =	ssyncset.done $0x0  }
0x5c: {  	[sflag:s14] =	ssyncadd.s32 $0xFFFFD800  }
0x5d: {  	_ =	swait.ge [sflag:s14], $0x2800  }
0x5e: {  	[sflag:s14] =	ssyncset.done $0x0  }
0x5f: {  	[sflag:s14] =	ssyncadd.s32 $0xFFFFD800  }
0x60: {  	_ =	swait.ge [sflag:s14], $0x2800  }
0x61: {  	[sflag:s14] =	ssyncset.done $0x0  }
0x62: {  	[sflag:s14] =	ssyncadd.s32 $0xFFFFD800  }
0x63: {  	_ =	swait.ge [sflag:s14], $0x2800  }
0x64: {  	[sflag:s14] =	ssyncset.done $0x0  }
0x65: {  	[sflag:s14] =	ssyncadd.s32 $0xFFFFD800  }
0x66: {  	_ =	swait.ge [sflag:s14], $0x2800  }
0x67: {  	[sflag:s14] =	ssyncset.done $0x0  }
0x68: {  	[sflag:s14] =	ssyncadd.s32 $0xFFFFD800  }
0x69: {  	_ =	swait.ge [sflag:s14], $0x2800  }
0x6a: {  	[sflag:s14] =	ssyncset.done $0x0  }
0x6b: {  	[sflag:s14] =	ssyncadd.s32 $0xFFFFD800  }
0x6c: {  	_ =	swait.ge [sflag:s14], $0x2800  }
0x6d: {  	[sflag:s14] =	ssyncset.done $0x0  }
0x6e: {  	[sflag:s14] =	ssyncadd.s32 $0xFFFFD800  }
0x6f: {  	_ =	swait.ge [sflag:s14], $0x2800  }
0x70: {  	[sflag:s14] =	ssyncset.done $0x0  }
0x71: {  	[sflag:s14] =	ssyncadd.s32 $0xFFFFD800  }
0x72: {  	_ =	swait.ge [sflag:s14], $0x2800  }
0x73: {  	[sflag:s14] =	ssyncset.done $0x0  }
0x74: {  	[sflag:s14] =	ssyncadd.s32 $0xFFFFD800  }
0x75: {  	_ =	swait.ge [sflag:s14], $0x2800  }
0x76: {  	[sflag:s14] =	ssyncset.done $0x0  }
0x77: {  	[sflag:s14] =	ssyncadd.s32 $0xFFFFD800  }
0x78: {  	_ =	swait.ge [sflag:s14], $0x2800  }
0x79: {  	[sflag:s14] =	ssyncset.done $0x0  }
0x7a: {  	[sflag:s14] =	ssyncadd.s32 $0xFFFFD800  }
0x7b: {  	_ =	swait.ge [sflag:s14], $0x2800  }
0x7c: {  	[sflag:s14] =	ssyncset.done $0x0  }
0x7d: {  	[sflag:s14] =	ssyncadd.s32 $0xFFFFD800  }
0x7e: {  	_ =	swait.ge [sflag:s14], $0x2800  }
0x7f: {  	[sflag:s14] =	ssyncset.done $0x0  }
0x80: {  	[sflag:s14] =	ssyncadd.s32 $0xFFFFD800  }
0x81: {  	_ =	swait.ge [sflag:s14], $0x2800  }
0x82: {  	[sflag:s14] =	ssyncset.done $0x0  }
0x83: {  	[sflag:s14] =	ssyncadd.s32 $0xFFFFD800  }
0x84: {  	_ =	swait.ge [sflag:s14], $0x2800  }
0x85: {  	[sflag:s14] =	ssyncset.done $0x0  }
0x86: {  	[sflag:s14] =	ssyncadd.s32 $0xFFFFD800  }
0x87: {  	_ =	swait.ge [sflag:s14], $0x2800  }
0x88: {  	[sflag:s14] =	ssyncset.done $0x0  }
0x89: {  	[sflag:s14] =	ssyncadd.s32 $0xFFFFD800  }
0x8a: {  	_ =	swait.ge [sflag:s14], $0x2800  }
0x8b: {  	[sflag:s14] =	ssyncset.done $0x0  }
0x8c: {  	[sflag:s14] =	ssyncadd.s32 $0xFFFFD800  }
0x8d: {  	_ =	swait.ge [sflag:s14], $0x2800  }
0x8e: {  	[sflag:s14] =	ssyncset.done $0x0  }
0x8f: {  	[sflag:s14] =	ssyncadd.s32 $0xFFFFD800  }
0x90: {  	_ =	swait.ge [sflag:s14], $0x2800  }
0x91: {  	[sflag:s14] =	ssyncset.done $0x0  }
0x92: {  	[sflag:s14] =	ssyncadd.s32 $0xFFFFD800  }
0x93: {  	_ =	swait.ge [sflag:s14], $0x2800  }
0x94: {  	[sflag:s14] =	ssyncset.done $0x0  }
0x95: {  	[sflag:s14] =	ssyncadd.s32 $0xFFFFD800  }
0x96: {  	_ =	swait.ge [sflag:s14], $0x2800  }
0x97: {  	s16 =	simm.s32 $0x3200;
	s19 =	simm.s32 $0x6400;
	[sflag:s14] =	ssyncset.done $0x0  }
.LBB2_2:
0x98: {  	s18 =	sshra.s32 s16, $0x2  }
0x99: {  	[sflag:s14] =	ssyncadd.s32 $0xFFFFD800;
	s16 =	smov.u32 s19;
	s17 =	sadd.s32 $0x3200, s19  }
0x9a: {  	[spmem:s1] =	stream.indirect.scatter.add.f32 [tilespmem:s10], [sflag:$0x1], $0x80, s18, s13, $0xb8;
	[tilespmem:$0x1A080] =	vst v63  }
0x9b: {  	p1 =	sne.s32 s19, $0xC800;
	s19 =	sadd.s32 $0x80, s18  }
0x9c: {  	[spmem:s1] =	stream.indirect.scatter.add.f32 [tilespmem:s10], [sflag:$0x1], $0x80, s19, s13, $0xb8;
	[tilespmem:$0x1A080] =	vst v63  }
0x9d: {  	s19 =	sadd.s32 $0x100, s18  }
0x9e: {  	[spmem:s1] =	stream.indirect.scatter.add.f32 [tilespmem:s10], [sflag:$0x1], $0x80, s19, s13, $0xb8;
	[tilespmem:$0x1A080] =	vst v63  }
0x9f: {  	s19 =	sadd.s32 $0x180, s18  }
0xa0: {  	[spmem:s1] =	stream.indirect.scatter.add.f32 [tilespmem:s10], [sflag:$0x1], $0x80, s19, s13, $0xb8;
	[tilespmem:$0x1A080] =	vst v63  }
0xa1: {  	s19 =	sadd.s32 $0x200, s18  }
0xa2: {  	[spmem:s1] =	stream.indirect.scatter.add.f32 [tilespmem:s10], [sflag:$0x1], $0x80, s19, s13, $0xb8;
	[tilespmem:$0x1A080] =	vst v63  }
0xa3: {  	s19 =	sadd.s32 $0x280, s18  }
0xa4: {  	[spmem:s1] =	stream.indirect.scatter.add.f32 [tilespmem:s10], [sflag:$0x1], $0x80, s19, s13, $0xb8;
	[tilespmem:$0x1A080] =	vst v63  }
0xa5: {  	s19 =	sadd.s32 $0x300, s18  }
0xa6: {  	[spmem:s1] =	stream.indirect.scatter.add.f32 [tilespmem:s10], [sflag:$0x1], $0x80, s19, s13, $0xb8;
	[tilespmem:$0x1A080] =	vst v63  }
0xa7: {  	s19 =	sadd.s32 $0x380, s18  }
0xa8: {  	[spmem:s1] =	stream.indirect.scatter.add.f32 [tilespmem:s10], [sflag:$0x1], $0x80, s19, s13, $0xb8;
	[tilespmem:$0x1A080] =	vst v63  }
0xa9: {  	s19 =	sadd.s32 $0x400, s18  }
0xaa: {  	[spmem:s1] =	stream.indirect.scatter.add.f32 [tilespmem:s10], [sflag:$0x1], $0x80, s19, s13, $0xb8;
	[tilespmem:$0x1A080] =	vst v63  }
0xab: {  	s19 =	sadd.s32 $0x480, s18  }
0xac: {  	[spmem:s1] =	stream.indirect.scatter.add.f32 [tilespmem:s10], [sflag:$0x1], $0x80, s19, s13, $0xb8;
	[tilespmem:$0x1A080] =	vst v63  }
0xad: {  	s19 =	sadd.s32 $0x500, s18  }
0xae: {  	[spmem:s1] =	stream.indirect.scatter.add.f32 [tilespmem:s10], [sflag:$0x1], $0x80, s19, s13, $0xb8;
	[tilespmem:$0x1A080] =	vst v63  }
0xaf: {  	s19 =	sadd.s32 $0x580, s18  }
0xb0: {  	[spmem:s1] =	stream.indirect.scatter.add.f32 [tilespmem:s10], [sflag:$0x1], $0x80, s19, s13, $0xb8;
	[tilespmem:$0x1A080] =	vst v63  }
0xb1: {  	s19 =	sadd.s32 $0x600, s18  }
0xb2: {  	[spmem:s1] =	stream.indirect.scatter.add.f32 [tilespmem:s10], [sflag:$0x1], $0x80, s19, s13, $0xb8;
	[tilespmem:$0x1A080] =	vst v63  }
0xb3: {  	s19 =	sadd.s32 $0x680, s18  }
0xb4: {  	[spmem:s1] =	stream.indirect.scatter.add.f32 [tilespmem:s10], [sflag:$0x1], $0x80, s19, s13, $0xb8;
	[tilespmem:$0x1A080] =	vst v63  }
0xb5: {  	s19 =	sadd.s32 $0x700, s18  }
0xb6: {  	[spmem:s1] =	stream.indirect.scatter.add.f32 [tilespmem:s10], [sflag:$0x1], $0x80, s19, s13, $0xb8;
	[tilespmem:$0x1A080] =	vst v63  }
0xb7: {  	s19 =	sadd.s32 $0x780, s18  }
0xb8: {  	[spmem:s1] =	stream.indirect.scatter.add.f32 [tilespmem:s10], [sflag:$0x1], $0x80, s19, s13, $0xb8;
	[tilespmem:$0x1A080] =	vst v63  }
0xb9: {  	s19 =	sadd.s32 $0x800, s18  }
0xba: {  	[spmem:s1] =	stream.indirect.scatter.add.f32 [tilespmem:s10], [sflag:$0x1], $0x80, s19, s13, $0xb8;
	[tilespmem:$0x1A080] =	vst v63  }
0xbb: {  	s19 =	sadd.s32 $0x880, s18  }
0xbc: {  	[spmem:s1] =	stream.indirect.scatter.add.f32 [tilespmem:s10], [sflag:$0x1], $0x80, s19, s13, $0xb8;
	[tilespmem:$0x1A080] =	vst v63  }
0xbd: {  	s19 =	sadd.s32 $0x900, s18  }
0xbe: {  	[spmem:s1] =	stream.indirect.scatter.add.f32 [tilespmem:s10], [sflag:$0x1], $0x80, s19, s13, $0xb8;
	[tilespmem:$0x1A080] =	vst v63  }
0xbf: {  	s19 =	sadd.s32 $0x980, s18  }
0xc0: {  	[spmem:s1] =	stream.indirect.scatter.add.f32 [tilespmem:s10], [sflag:$0x1], $0x80, s19, s13, $0xb8;
	[tilespmem:$0x1A080] =	vst v63  }
0xc1: {  	s19 =	sadd.s32 $0xA00, s18  }
0xc2: {  	[spmem:s1] =	stream.indirect.scatter.add.f32 [tilespmem:s10], [sflag:$0x1], $0x80, s19, s13, $0xb8;
	[tilespmem:$0x1A080] =	vst v63  }
0xc3: {  	s19 =	sadd.s32 $0xA80, s18  }
0xc4: {  	[spmem:s1] =	stream.indirect.scatter.add.f32 [tilespmem:s10], [sflag:$0x1], $0x80, s19, s13, $0xb8;
	[tilespmem:$0x1A080] =	vst v63  }
0xc5: {  	s19 =	sadd.s32 $0xB00, s18  }
0xc6: {  	[spmem:s1] =	stream.indirect.scatter.add.f32 [tilespmem:s10], [sflag:$0x1], $0x80, s19, s13, $0xb8;
	[tilespmem:$0x1A080] =	vst v63  }
0xc7: {  	s19 =	sadd.s32 $0xB80, s18  }
0xc8: {  	[spmem:s1] =	stream.indirect.scatter.add.f32 [tilespmem:s10], [sflag:$0x1], $0x80, s19, s13, $0xb8;
	[tilespmem:$0x1A080] =	vst v63  }
0xc9: {  	s18 =	sadd.s32 $0xC00, s18  }
0xca: {  	[spmem:s1] =	stream.indirect.scatter.add.f32 [tilespmem:s10], [sflag:$0x1], $0x80, s18, s13, $0xb8;
	[tilespmem:$0x1A080] =	vst v63  }
0xcb: {  	_ =	swait.ge [sflag:s14], $0x2800  }
0xcc: {  	[sflag:s14] =	ssyncset.done $0x0  }
0xcd: {  	[sflag:s14] =	ssyncadd.s32 $0xFFFFD800  }
0xce: {  	_ =	swait.ge [sflag:s14], $0x2800  }
0xcf: {  	[sflag:s14] =	ssyncset.done $0x0  }
0xd0: {  	[sflag:s14] =	ssyncadd.s32 $0xFFFFD800  }
0xd1: {  	_ =	swait.ge [sflag:s14], $0x2800  }
0xd2: {  	[sflag:s14] =	ssyncset.done $0x0  }
0xd3: {  	[sflag:s14] =	ssyncadd.s32 $0xFFFFD800  }
0xd4: {  	_ =	swait.ge [sflag:s14], $0x2800  }
0xd5: {  	[sflag:s14] =	ssyncset.done $0x0  }
0xd6: {  	[sflag:s14] =	ssyncadd.s32 $0xFFFFD800  }
0xd7: {  	_ =	swait.ge [sflag:s14], $0x2800  }
0xd8: {  	[sflag:s14] =	ssyncset.done $0x0  }
0xd9: {  	[sflag:s14] =	ssyncadd.s32 $0xFFFFD800  }
0xda: {  	_ =	swait.ge [sflag:s14], $0x2800  }
0xdb: {  	[sflag:s14] =	ssyncset.done $0x0  }
0xdc: {  	[sflag:s14] =	ssyncadd.s32 $0xFFFFD800  }
0xdd: {  	_ =	swait.ge [sflag:s14], $0x2800  }
0xde: {  	[sflag:s14] =	ssyncset.done $0x0  }
0xdf: {  	[sflag:s14] =	ssyncadd.s32 $0xFFFFD800  }
0xe0: {  	_ =	swait.ge [sflag:s14], $0x2800  }
0xe1: {  	[sflag:s14] =	ssyncset.done $0x0  }
0xe2: {  	[sflag:s14] =	ssyncadd.s32 $0xFFFFD800  }
0xe3: {  	_ =	swait.ge [sflag:s14], $0x2800  }
0xe4: {  	[sflag:s14] =	ssyncset.done $0x0  }
0xe5: {  	[sflag:s14] =	ssyncadd.s32 $0xFFFFD800  }
0xe6: {  	_ =	swait.ge [sflag:s14], $0x2800  }
0xe7: {  	[sflag:s14] =	ssyncset.done $0x0  }
0xe8: {  	[sflag:s14] =	ssyncadd.s32 $0xFFFFD800  }
0xe9: {  	_ =	swait.ge [sflag:s14], $0x2800  }
0xea: {  	[sflag:s14] =	ssyncset.done $0x0  }
0xeb: {  	[sflag:s14] =	ssyncadd.s32 $0xFFFFD800  }
0xec: {  	_ =	swait.ge [sflag:s14], $0x2800  }
0xed: {  	[sflag:s14] =	ssyncset.done $0x0  }
0xee: {  	[sflag:s14] =	ssyncadd.s32 $0xFFFFD800  }
0xef: {  	_ =	swait.ge [sflag:s14], $0x2800  }
0xf0: {  	[sflag:s14] =	ssyncset.done $0x0  }
0xf1: {  	[sflag:s14] =	ssyncadd.s32 $0xFFFFD800  }
0xf2: {  	_ =	swait.ge [sflag:s14], $0x2800  }
0xf3: {  	[sflag:s14] =	ssyncset.done $0x0  }
0xf4: {  	[sflag:s14] =	ssyncadd.s32 $0xFFFFD800  }
0xf5: {  	_ =	swait.ge [sflag:s14], $0x2800  }
0xf6: {  	[sflag:s14] =	ssyncset.done $0x0  }
0xf7: {  	[sflag:s14] =	ssyncadd.s32 $0xFFFFD800  }
0xf8: {  	_ =	swait.ge [sflag:s14], $0x2800  }
0xf9: {  	[sflag:s14] =	ssyncset.done $0x0  }
0xfa: {  	[sflag:s14] =	ssyncadd.s32 $0xFFFFD800  }
0xfb: {  	_ =	swait.ge [sflag:s14], $0x2800  }
0xfc: {  	[sflag:s14] =	ssyncset.done $0x0  }
0xfd: {  	[sflag:s14] =	ssyncadd.s32 $0xFFFFD800  }
0xfe: {  	_ =	swait.ge [sflag:s14], $0x2800  }
0xff: {  	[sflag:s14] =	ssyncset.done $0x0  }
0x100: {  	[sflag:s14] =	ssyncadd.s32 $0xFFFFD800  }
0x101: {  	_ =	swait.ge [sflag:s14], $0x2800  }
0x102: {  	[sflag:s14] =	ssyncset.done $0x0  }
0x103: {  	[sflag:s14] =	ssyncadd.s32 $0xFFFFD800  }
0x104: {  	_ =	swait.ge [sflag:s14], $0x2800  }
0x105: {  	[sflag:s14] =	ssyncset.done $0x0  }
0x106: {  	[sflag:s14] =	ssyncadd.s32 $0xFFFFD800  }
0x107: {  	_ =	swait.ge [sflag:s14], $0x2800  }
0x108: {  	[sflag:s14] =	ssyncset.done $0x0  }
0x109: {  	[sflag:s14] =	ssyncadd.s32 $0xFFFFD800  }
0x10a: {  	_ =	swait.ge [sflag:s14], $0x2800  }
0x10b: {  	[sflag:s14] =	ssyncset.done $0x0  }
0x10c: {  	[sflag:s14] =	ssyncadd.s32 $0xFFFFD800  }
0x10d: {  	_ =	swait.ge [sflag:s14], $0x2800  }
0x10e: {  	[sflag:s14] =	ssyncset.done $0x0  }
0x10f: {  	[sflag:s14] =	ssyncadd.s32 $0xFFFFD800  }
.Ltmp0:
0x110: {  	_ =	swait.ge [sflag:s14], $0x2800;
	(pc) =	sbr.rel @p1 .LBB2_2-.Ltmp0, $4  }
0x111: {  	[sflag:s14] =	ssyncset.done $0x0  }
0x112: {  	[sflag:s14] =	ssyncadd.s32 $0xFFFFD800  }
0x113: {  	_ =	swait.ge [sflag:s14], $0x2800  }
0x114: {  	s19 =	smov.u32 s17;
	[sflag:s14] =	ssyncset.done $0x0  }
0x115: {  	s16 =	sshra.s32 s16, $0x2;
	[sflag:s14] =	ssyncadd.s32 $0xFFFFD800  }
0x116: {  	[spmem:s1] =	stream.indirect.scatter.add.f32 [tilespmem:s10], [sflag:$0x1], $0x80, s16, s13, $0xb8;
	[tilespmem:$0x1A080] =	vst v63  }
0x117: {  	s17 =	sadd.s32 $0x80, s16  }
0x118: {  	[spmem:s1] =	stream.indirect.scatter.add.f32 [tilespmem:s10], [sflag:$0x1], $0x80, s17, s13, $0xb8;
	[tilespmem:$0x1A080] =	vst v63  }
0x119: {  	s22 =	sadd.s32 $0x100, s16  }
0x11a: {  	[spmem:s1] =	stream.indirect.scatter.add.f32 [tilespmem:s10], [sflag:$0x1], $0x80, s22, s13, $0xb8;
	[tilespmem:$0x1A080] =	vst v63  }
0x11b: {  	s23 =	sadd.s32 $0x180, s16  }
0x11c: {  	[spmem:s1] =	stream.indirect.scatter.add.f32 [tilespmem:s10], [sflag:$0x1], $0x80, s23, s13, $0xb8;
	[tilespmem:$0x1A080] =	vst v63  }
0x11d: {  	s24 =	sadd.s32 $0x200, s16  }
0x11e: {  	[spmem:s1] =	stream.indirect.scatter.add.f32 [tilespmem:s10], [sflag:$0x1], $0x80, s24, s13, $0xb8;
	[tilespmem:$0x1A080] =	vst v63  }
0x11f: {  	s25 =	sadd.s32 $0x280, s16  }
0x120: {  	[spmem:s1] =	stream.indirect.scatter.add.f32 [tilespmem:s10], [sflag:$0x1], $0x80, s25, s13, $0xb8;
	[tilespmem:$0x1A080] =	vst v63  }
0x121: {  	s26 =	sadd.s32 $0x300, s16  }
0x122: {  	[spmem:s1] =	stream.indirect.scatter.add.f32 [tilespmem:s10], [sflag:$0x1], $0x80, s26, s13, $0xb8;
	[tilespmem:$0x1A080] =	vst v63  }
0x123: {  	s28 =	sadd.s32 $0x380, s16  }
0x124: {  	[spmem:s1] =	stream.indirect.scatter.add.f32 [tilespmem:s10], [sflag:$0x1], $0x80, s28, s13, $0xb8;
	[tilespmem:$0x1A080] =	vst v63  }
0x125: {  	s29 =	sadd.s32 $0x400, s16  }
0x126: {  	[spmem:s1] =	stream.indirect.scatter.add.f32 [tilespmem:s10], [sflag:$0x1], $0x80, s29, s13, $0xb8;
	[tilespmem:$0x1A080] =	vst v63  }
0x127: {  	s30 =	sadd.s32 $0x480, s16  }
0x128: {  	[spmem:s1] =	stream.indirect.scatter.add.f32 [tilespmem:s10], [sflag:$0x1], $0x80, s30, s13, $0xb8;
	[tilespmem:$0x1A080] =	vst v63  }
0x129: {  	s31 =	sadd.s32 $0x500, s16  }
0x12a: {  	[spmem:s1] =	stream.indirect.scatter.add.f32 [tilespmem:s10], [sflag:$0x1], $0x80, s31, s13, $0xb8;
	[tilespmem:$0x1A080] =	vst v63  }
0x12b: {  	s18 =	sadd.s32 $0x580, s16  }
0x12c: {  	[spmem:s1] =	stream.indirect.scatter.add.f32 [tilespmem:s10], [sflag:$0x1], $0x80, s18, s13, $0xb8;
	[tilespmem:$0x1A080] =	vst v63  }
0x12d: {  	s19 =	sadd.s32 $0x600, s16  }
0x12e: {  	[spmem:s1] =	stream.indirect.scatter.add.f32 [tilespmem:s10], [sflag:$0x1], $0x80, s19, s13, $0xb8;
	[tilespmem:$0x1A080] =	vst v63  }
0x12f: {  	s20 =	sadd.s32 $0x680, s16  }
0x130: {  	[spmem:s1] =	stream.indirect.scatter.add.f32 [tilespmem:s10], [sflag:$0x1], $0x80, s20, s13, $0xb8;
	[tilespmem:$0x1A080] =	vst v63  }
0x131: {  	s21 =	sadd.s32 $0x700, s16  }
0x132: {  	[spmem:s1] =	stream.indirect.scatter.add.f32 [tilespmem:s10], [sflag:$0x1], $0x80, s21, s13, $0xb8;
	[tilespmem:$0x1A080] =	vst v63  }
0x133: {  	s22 =	sadd.s32 $0x780, s16  }
0x134: {  	[spmem:s1] =	stream.indirect.scatter.add.f32 [tilespmem:s10], [sflag:$0x1], $0x80, s22, s13, $0xb8;
	[tilespmem:$0x1A080] =	vst v63  }
0x135: {  	s23 =	sadd.s32 $0x800, s16  }
0x136: {  	[spmem:s1] =	stream.indirect.scatter.add.f32 [tilespmem:s10], [sflag:$0x1], $0x80, s23, s13, $0xb8;
	[tilespmem:$0x1A080] =	vst v63  }
0x137: {  	s24 =	sadd.s32 $0x880, s16  }
0x138: {  	[spmem:s1] =	stream.indirect.scatter.add.f32 [tilespmem:s10], [sflag:$0x1], $0x80, s24, s13, $0xb8;
	[tilespmem:$0x1A080] =	vst v63  }
0x139: {  	s25 =	sadd.s32 $0x900, s16  }
0x13a: {  	[spmem:s1] =	stream.indirect.scatter.add.f32 [tilespmem:s10], [sflag:$0x1], $0x80, s25, s13, $0xb8;
	[tilespmem:$0x1A080] =	vst v63  }
0x13b: {  	s26 =	sadd.s32 $0x980, s16  }
0x13c: {  	[spmem:s1] =	stream.indirect.scatter.add.f32 [tilespmem:s10], [sflag:$0x1], $0x80, s26, s13, $0xb8;
	[tilespmem:$0x1A080] =	vst v63  }
0x13d: {  	s28 =	sadd.s32 $0xA00, s16  }
0x13e: {  	[spmem:s1] =	stream.indirect.scatter.add.f32 [tilespmem:s10], [sflag:$0x1], $0x80, s28, s13, $0xb8;
	[tilespmem:$0x1A080] =	vst v63  }
0x13f: {  	s29 =	sadd.s32 $0xA80, s16  }
0x140: {  	[spmem:s1] =	stream.indirect.scatter.add.f32 [tilespmem:s10], [sflag:$0x1], $0x80, s29, s13, $0xb8;
	[tilespmem:$0x1A080] =	vst v63  }
0x141: {  	s30 =	sadd.s32 $0xB00, s16  }
0x142: {  	[spmem:s1] =	stream.indirect.scatter.add.f32 [tilespmem:s10], [sflag:$0x1], $0x80, s30, s13, $0xb8;
	[tilespmem:$0x1A080] =	vst v63  }
0x143: {  	s31 =	sadd.s32 $0xB80, s16  }
0x144: {  	[spmem:s1] =	stream.indirect.scatter.add.f32 [tilespmem:s10], [sflag:$0x1], $0x80, s31, s13, $0xb8;
	[tilespmem:$0x1A080] =	vst v63  }
0x145: {  	s16 =	sadd.s32 $0xC00, s16  }
0x146: {  	[spmem:s1] =	stream.indirect.scatter.add.f32 [tilespmem:s10], [sflag:$0x1], $0x80, s16, s13, $0xb8;
	[tilespmem:$0x1A080] =	vst v63  }
0x147: {  	_ =	swait.ge [sflag:s14], $0x2800  }
0x148: {  	[sflag:s14] =	ssyncset.done $0x0  }
0x149: {  	[sflag:s14] =	ssyncadd.s32 $0xFFFFD800  }
0x14a: {  	_ =	swait.ge [sflag:s14], $0x2800  }
0x14b: {  	[sflag:s14] =	ssyncset.done $0x0  }
0x14c: {  	[sflag:s14] =	ssyncadd.s32 $0xFFFFD800  }
0x14d: {  	_ =	swait.ge [sflag:s14], $0x2800  }
0x14e: {  	[sflag:s14] =	ssyncset.done $0x0  }
0x14f: {  	[sflag:s14] =	ssyncadd.s32 $0xFFFFD800  }
0x150: {  	_ =	swait.ge [sflag:s14], $0x2800  }
0x151: {  	[sflag:s14] =	ssyncset.done $0x0  }
0x152: {  	[sflag:s14] =	ssyncadd.s32 $0xFFFFD800  }
0x153: {  	_ =	swait.ge [sflag:s14], $0x2800  }
0x154: {  	[sflag:s14] =	ssyncset.done $0x0  }
0x155: {  	[sflag:s14] =	ssyncadd.s32 $0xFFFFD800  }
0x156: {  	_ =	swait.ge [sflag:s14], $0x2800  }
0x157: {  	[sflag:s14] =	ssyncset.done $0x0  }
0x158: {  	[sflag:s14] =	ssyncadd.s32 $0xFFFFD800  }
0x159: {  	_ =	swait.ge [sflag:s14], $0x2800  }
0x15a: {  	[sflag:s14] =	ssyncset.done $0x0  }
0x15b: {  	[sflag:s14] =	ssyncadd.s32 $0xFFFFD800  }
0x15c: {  	_ =	swait.ge [sflag:s14], $0x2800  }
0x15d: {  	[sflag:s14] =	ssyncset.done $0x0  }
0x15e: {  	[sflag:s14] =	ssyncadd.s32 $0xFFFFD800  }
0x15f: {  	_ =	swait.ge [sflag:s14], $0x2800  }
0x160: {  	[sflag:s14] =	ssyncset.done $0x0  }
0x161: {  	[sflag:s14] =	ssyncadd.s32 $0xFFFFD800  }
0x162: {  	_ =	swait.ge [sflag:s14], $0x2800  }
0x163: {  	[sflag:s14] =	ssyncset.done $0x0  }
0x164: {  	[sflag:s14] =	ssyncadd.s32 $0xFFFFD800  }
0x165: {  	_ =	swait.ge [sflag:s14], $0x2800  }
0x166: {  	[sflag:s14] =	ssyncset.done $0x0  }
0x167: {  	[sflag:s14] =	ssyncadd.s32 $0xFFFFD800  }
0x168: {  	_ =	swait.ge [sflag:s14], $0x2800  }
0x169: {  	[sflag:s14] =	ssyncset.done $0x0  }
0x16a: {  	[sflag:s14] =	ssyncadd.s32 $0xFFFFD800  }
0x16b: {  	_ =	swait.ge [sflag:s14], $0x2800  }
0x16c: {  	[sflag:s14] =	ssyncset.done $0x0  }
0x16d: {  	[sflag:s14] =	ssyncadd.s32 $0xFFFFD800  }
0x16e: {  	_ =	swait.ge [sflag:s14], $0x2800  }
0x16f: {  	[sflag:s14] =	ssyncset.done $0x0  }
0x170: {  	[sflag:s14] =	ssyncadd.s32 $0xFFFFD800  }
0x171: {  	_ =	swait.ge [sflag:s14], $0x2800  }
0x172: {  	[sflag:s14] =	ssyncset.done $0x0  }
0x173: {  	[sflag:s14] =	ssyncadd.s32 $0xFFFFD800  }
0x174: {  	_ =	swait.ge [sflag:s14], $0x2800  }
0x175: {  	[sflag:s14] =	ssyncset.done $0x0  }
0x176: {  	[sflag:s14] =	ssyncadd.s32 $0xFFFFD800  }
0x177: {  	_ =	swait.ge [sflag:s14], $0x2800  }
0x178: {  	[sflag:s14] =	ssyncset.done $0x0  }
0x179: {  	[sflag:s14] =	ssyncadd.s32 $0xFFFFD800  }
0x17a: {  	_ =	swait.ge [sflag:s14], $0x2800  }
0x17b: {  	[sflag:s14] =	ssyncset.done $0x0  }
0x17c: {  	[sflag:s14] =	ssyncadd.s32 $0xFFFFD800  }
0x17d: {  	_ =	swait.ge [sflag:s14], $0x2800  }
0x17e: {  	[sflag:s14] =	ssyncset.done $0x0  }
0x17f: {  	[sflag:s14] =	ssyncadd.s32 $0xFFFFD800  }
0x180: {  	_ =	swait.ge [sflag:s14], $0x2800  }
0x181: {  	[sflag:s14] =	ssyncset.done $0x0  }
0x182: {  	[sflag:s14] =	ssyncadd.s32 $0xFFFFD800  }
0x183: {  	_ =	swait.ge [sflag:s14], $0x2800  }
0x184: {  	[sflag:s14] =	ssyncset.done $0x0  }
0x185: {  	[sflag:s14] =	ssyncadd.s32 $0xFFFFD800  }
0x186: {  	_ =	swait.ge [sflag:s14], $0x2800  }
0x187: {  	[sflag:s14] =	ssyncset.done $0x0  }
0x188: {  	[sflag:s14] =	ssyncadd.s32 $0xFFFFD800  }
0x189: {  	_ =	swait.ge [sflag:s14], $0x2800  }
0x18a: {  	[sflag:s14] =	ssyncset.done $0x0  }
0x18b: {  	[sflag:s14] =	ssyncadd.s32 $0xFFFFD800  }
0x18c: {  	_ =	swait.ge [sflag:s14], $0x2800  }
0x18d: {  	[sflag:s14] =	ssyncset.done $0x0  }
0x18e: {  	[sflag:s14] =	ssyncadd.s32 $0xFFFFD800  }
0x18f: {  	_ =	swait.ge [sflag:s14], $0x2800  }
0x190: {  	s15 =	sadd.s32 $0x1, s15;
	[sflag:s14] =	ssyncset.done $0x0  }
0x191: {  	p1 =	sne.s32 s15, s8;
	[sflag:s14] =	ssyncadd.s32 $0xFFFFD800  }
.Ltmp1:
0x192: {  	s16 =	simm.s32 @!p0 $0x2;
	[bflag:$0x0] =	sbarrier.arrive $0xFFFF;
	(pc) =	sbr.rel @p1 .LBB2_1-.Ltmp1, $4  }
0x193: {  	[hbm:s7], [sflag:s11] =	dma.local @!p0 [spmem:s12], $0x3E80  }
0x194: {  	_ =	swait.ge @!p0 [sflag:s16], $0x3E80  }
0x195: {  	[sflag:s16] =	ssyncset.done @!p0 $0x0  }
0x196: {  	[sflag:s16] =	ssyncadd.s32 @!p0 $0xFFFFC180  }
0x197: {  	_ =	sfence.sel $0x180000  }
0x198: {  	[bflag:$0x0] =	sbarrier.arrive $0xFFFF  }
0x199: {  	p0 =	sne.s32 s2, $0x0;
	_ =	strace $0x90000047  }
0x19a: {  	s0 =	sadd.s32 @!p0 $0x100000, s0;
	[bflag:$0x2] =	sbarrier.arrive $0xFFFF  }
0x19b: {  	[sflag:s0] =	ssyncadd.tile.s32 @!p0 $0x1;
	_ =	shalt  }
.Lfunc_end2:
_tile_overlayer_lowered:
.L_overlay_start_2:
0x19c: {  	(tag) =	ssettag $0x2  }
0x19d: {  	s0 =	rddreg [dreg:$0x0];
	s2 =	stileid.u32  }
0x19e: {  	s1 =	rddreg [dreg:$0x1];
	p0 =	sne.s32 s2, $0x0  }
0x19f: {  	s3 =	rddreg [dreg:$0x2];
	[bflag:$0x3] =	sbarrier.arrive $0xFFFF;
	s2 =	simm.s32 @!p0 $0x1C02  }
0x1a0: {  	[timem:s3], [sflag:s2] =	dma.local @!p0 [hbm:s0], s1  }
0x1a1: {  	s0 =	simm.s32 @!p0 $0x2  }
0x1a2: {  	_ =	swait.ge @!p0 [sflag:s0], s1  }
0x1a3: {  	s1 =	ssub.s32 @!p0 $0x0, s1;
	[sflag:s0] =	ssyncset.done @!p0 $0x0  }
0x1a4: {  	[sflag:s0] =	ssyncadd.s32 @!p0 s1  }
0x1a5: {  	[bflag:$0x3] =	sbarrier.arrive $0xFFFF  }
0x1a6: {  	_ =	shalt  }

</sc_bundles>
